<compile_context>
chip_gen: v7x
topology: tpu7x:2x2x1
jax: 0.10.2.dev20260603
libtpu: 0.0.44.dev20260713+nightly
codegen_flags: <defaults>
</compile_context>

<pallas_src>
import functools

import jax
import jax.numpy as jnp
from jax import lax
from jax.experimental import pallas as pl
from jax.experimental.pallas import tpu as pltpu
from jax.experimental.pallas import tpu_sc as plsc

BLK = 512
BLK_SHIFT = 9
SENTINEL = 1 << 28


def _router_kernel(x_ref, wg_ref, slots_ref, wrows_ref, meta_ref, *,
                   n_experts, n_blocks, seq):
    E = n_experts
    logits = lax.dot_general(x_ref[...], wg_ref[...],
                             (((1,), (1,)), ((), ())),
                             preferred_element_type=jnp.float32)
    m = jnp.max(logits, axis=-1, keepdims=True)
    p = jnp.exp(logits - m)
    p = p / jnp.sum(p, axis=-1, keepdims=True)
    lane = lax.broadcasted_iota(jnp.int32, p.shape, 1)
    m1 = jnp.max(p, axis=-1, keepdims=True)
    i1 = jnp.min(jnp.where(p == m1, lane, E), axis=-1, keepdims=True)
    mask1 = lane == i1
    p2 = jnp.where(mask1, -jnp.inf, p)
    m2 = jnp.max(p2, axis=-1, keepdims=True)
    i2 = jnp.min(jnp.where(p2 == m2, lane, E), axis=-1, keepdims=True)
    mask2 = lane == i2
    denom = m1 + m2
    w1n = m1 / denom
    w2n = m2 / denom

    cnt = (jnp.where(mask1, 1.0, 0.0) + jnp.where(mask2, 1.0, 0.0))
    csum = cnt
    shift = 1
    while shift < seq:
        shifted = jnp.concatenate(
            [jnp.zeros((shift, E), jnp.float32), csum[:-shift, :]], axis=0)
        csum = csum + shifted
        shift *= 2

    counts = csum[seq - 1:seq, :].astype(jnp.int32)
    pb = (counts + BLK - 1) >> BLK_SHIFT

    lane1 = lax.broadcasted_iota(jnp.int32, (1, E), 1)
    off_blk = jnp.zeros((1, E), jnp.int32)
    acc = jnp.zeros((), jnp.int32)
    for e in range(E):
        off_blk = jnp.where(lane1 == e, acc, off_blk)
        acc = acc + pb[0, e]
    nact = acc

    off_rows = (off_blk << BLK_SHIFT).astype(jnp.float32)
    slot_base = off_rows + csum - 1.0
    slot0 = jnp.sum(jnp.where(mask1, slot_base, 0.0), axis=-1,
                    keepdims=True).astype(jnp.int32)
    slot1 = jnp.sum(jnp.where(mask2, slot_base, 0.0), axis=-1,
                    keepdims=True).astype(jnp.int32)

    slots_ref[...] = jnp.concatenate(
        [lax.transpose(slot0, (1, 0)), lax.transpose(slot1, (1, 0))], axis=0)
    wrows_ref[...] = jnp.concatenate(
        [jnp.broadcast_to(w1n, (seq, 128)),
         jnp.broadcast_to(w2n, (seq, 128))], axis=0)

    lane_nb = lax.broadcasted_iota(jnp.int32, (1, n_blocks + 1), 1)
    ii = jnp.minimum(lane_nb, nact - 1)
    eob = jnp.zeros((1, n_blocks + 1), jnp.int32)
    for e in range(E):
        eob = eob + jnp.where(off_blk[0, e] <= ii, 1, 0)
    eob = eob - 1
    meta_ref[...] = jnp.where(lane_nb == n_blocks, nact, eob)


def _gemm_kernel(meta_ref, wvec_ref, xg_ref, w1_ref, b1_ref,
                 w2_ref, b2_ref, ygw_ref, *, n_blocks, seq):
    i = pl.program_id(0)
    nact = meta_ref[n_blocks]

    @pl.when(i < nact)
    def _active():
        wrow = wvec_ref[:, 0:1]
        h = lax.dot_general(xg_ref[...].astype(jnp.bfloat16), w1_ref[0],
                            (((1,), (1,)), ((), ())),
                            preferred_element_type=jnp.float32)
        h = h + b1_ref[0]
        h = h * jax.nn.sigmoid(h)
        y = lax.dot_general(h.astype(jnp.bfloat16), w2_ref[0],
                            (((1,), (1,)), ((), ())),
                            preferred_element_type=jnp.float32)
        ygw_ref[...] = (y + b2_ref[0]) * wrow

    @pl.when(i >= nact)
    def _inactive():
        ygw_ref[...] = jnp.zeros_like(ygw_ref)


def _add_kernel(y0_ref, y1_ref, out_ref):
    out_ref[...] = (y0_ref[...].astype(jnp.float32) +
                    y1_ref[...].astype(jnp.float32))


def kernel(x, Wg, W1, b1, W2, b2):
    B_, S, H = x.shape
    E, F, _ = W1.shape
    NB = (2 * S + E * (BLK - 1)) // BLK
    G = NB * BLK

    xs = x[0]
    w1 = W1.astype(jnp.bfloat16)
    w2 = W2.astype(jnp.bfloat16)

    slots2, wrows, meta2d = pl.pallas_call(
        functools.partial(_router_kernel, n_experts=E, n_blocks=NB, seq=S),
        in_specs=[pl.BlockSpec((S, H), lambda: (0, 0)),
                  pl.BlockSpec((E, H), lambda: (0, 0))],
        out_specs=[pl.BlockSpec((2, S), lambda: (0, 0)),
                   pl.BlockSpec((2 * S, 128), lambda: (0, 0)),
                   pl.BlockSpec((1, NB + 1), lambda: (0, 0))],
        out_shape=[jax.ShapeDtypeStruct((2, S), jnp.int32),
                   jax.ShapeDtypeStruct((2 * S, 128), jnp.float32),
                   jax.ShapeDtypeStruct((1, NB + 1), jnp.int32)],
    )(xs, Wg)

    meta = meta2d.reshape(NB + 1)

    mesh = plsc.VectorSubcoreMesh(core_axis_name="c", subcore_axis_name="s")
    NW = 32
    tok_per = S // NW

    @functools.partial(
        pl.kernel, mesh=mesh,
        out_type=[jax.ShapeDtypeStruct((G, H), jnp.float32),
                  jax.ShapeDtypeStruct((G, 128), jnp.float32)],
        scratch_types=[pltpu.VMEM((tok_per,), jnp.int32),
                       pltpu.VMEM((tok_per,), jnp.int32),
                       pltpu.VMEM((tok_per, H), jnp.float32),
                       pltpu.VMEM((tok_per, 128), jnp.float32),
                       pltpu.VMEM((tok_per, 128), jnp.float32),
                       pltpu.SemaphoreType.DMA,
                       pltpu.SemaphoreType.DMA])
    def _dispatch(x_hbm, s_hbm, w_hbm, xg_hbm, wv_hbm,
                  idx0_v, idx1_v, rows_v, w0_v, w1_v, lsem, ssem):
        wid = lax.axis_index("s") * 2 + lax.axis_index("c")
        base = wid * tok_per
        l0 = pltpu.async_copy(s_hbm.at[0, pl.ds(base, tok_per)], idx0_v, lsem)
        l1 = pltpu.async_copy(s_hbm.at[1, pl.ds(base, tok_per)], idx1_v, lsem)
        l2 = pltpu.async_copy(x_hbm.at[pl.ds(base, tok_per)], rows_v, lsem)
        l3 = pltpu.async_copy(w_hbm.at[pl.ds(base, tok_per)], w0_v, lsem)
        l4 = pltpu.async_copy(w_hbm.at[pl.ds(S + base, tok_per)], w1_v, lsem)
        l0.wait(); l1.wait(); l2.wait(); l3.wait(); l4.wait()
        s0 = pltpu.async_copy(rows_v, xg_hbm.at[idx0_v], ssem)
        s1 = pltpu.async_copy(rows_v, xg_hbm.at[idx1_v], ssem)
        s2 = pltpu.async_copy(w0_v, wv_hbm.at[idx0_v], ssem)
        s3 = pltpu.async_copy(w1_v, wv_hbm.at[idx1_v], ssem)
        s0.wait(); s1.wait(); s2.wait(); s3.wait()

    xg, wvec = _dispatch(xs, slots2, wrows)

    ygw = pl.pallas_call(
        functools.partial(_gemm_kernel, n_blocks=NB, seq=S),
        grid_spec=pltpu.PrefetchScalarGridSpec(
            num_scalar_prefetch=1,
            grid=(NB,),
            in_specs=[
                pl.BlockSpec((BLK, 128), lambda i, meta: (i, 0)),
                pl.BlockSpec((BLK, H), lambda i, meta: (i, 0)),
                pl.BlockSpec((1, F, H), lambda i, meta: (meta[i], 0, 0)),
                pl.BlockSpec((1, 1, F), lambda i, meta: (meta[i], 0, 0)),
                pl.BlockSpec((1, H, F), lambda i, meta: (meta[i], 0, 0)),
                pl.BlockSpec((1, 1, H), lambda i, meta: (meta[i], 0, 0)),
            ],
            out_specs=pl.BlockSpec((BLK, H), lambda i, meta: (i, 0)),
        ),
        compiler_params=pltpu.CompilerParams(
            dimension_semantics=("parallel",)),
        out_shape=jax.ShapeDtypeStruct((G, H), jnp.float32),
    )(meta, wvec, xg, w1, b1.reshape(E, 1, F), w2,
      b2.reshape(E, 1, H))

    CH = 64

    @functools.partial(
        pl.kernel, mesh=mesh,
        out_type=jax.ShapeDtypeStruct((2 * S, H), jnp.float32),
        scratch_types=[pltpu.VMEM((CH,), jnp.int32),
                       pltpu.VMEM((CH, H), jnp.float32)])
    def _combine(ygw_hbm, s_hbm, y_hbm, idx_v, rows_v):
        wid = lax.axis_index("s") * 2 + lax.axis_index("c")
        k = wid % 2
        tchunk = wid // 2
        for c in range(2):
            base = tchunk * 2 * CH + c * CH
            pltpu.sync_copy(s_hbm.at[k, pl.ds(base, CH)], idx_v)
            pltpu.sync_copy(ygw_hbm.at[idx_v], rows_v)
            pltpu.sync_copy(rows_v, y_hbm.at[pl.ds(k * S + base, CH)])

    y01 = _combine(ygw, slots2)

    TS = 1024
    NT = S // TS
    out = pl.pallas_call(
        _add_kernel,
        grid=(NT,),
        in_specs=[pl.BlockSpec((TS, H), lambda t: (t, 0)),
                  pl.BlockSpec((TS, H), lambda t: (t + NT, 0))],
        out_specs=pl.BlockSpec((TS, H), lambda t: (t, 0)),
        compiler_params=pltpu.CompilerParams(
            dimension_semantics=("parallel",)),
        out_shape=jax.ShapeDtypeStruct((S, H), jnp.float32),
    )(y01, y01)
    return out[None]

# --- scband reference (transcript-rebuilt; emitter-appended) ---
"""Pipeline reference for scband-mo-elayer-82446192214075 (READ-ONLY COPY).

The authoritative reference and input builder live on the scoring server;
editing this copy changes nothing except your own understanding.
"""

import jax, jax.numpy as jnp
import numpy as np

E = 8
K = 2
H = 1024
F = 2048
ROUTE_SCALE = 1.0


def setup_inputs(seed: int = 0) -> dict:
    key = jax.random.key(seed)
    ks = jax.random.split(key, 6)
    x = jax.random.normal(ks[0], (1, 2048, H), dtype=jnp.float32)
    Wg = jax.random.normal(ks[1], (E, H), dtype=jnp.float32) * 0.02
    W1 = jax.random.normal(ks[2], (E, F, H), dtype=jnp.float32) * 0.02
    b1 = jnp.zeros((E, F), dtype=jnp.float32)
    W2 = jax.random.normal(ks[3], (E, H, F), dtype=jnp.float32) * 0.02
    b2 = jnp.zeros((E, H), dtype=jnp.float32)
    return {"x": x, "Wg": Wg, "W1": W1, "b1": b1, "W2": W2, "b2": b2}


def reference(x, Wg, W1, b1, W2, b2):
    # gate: nn.Linear(hidden, E, bias=False)
    logits = jnp.einsum('bsh,eh->bse', x, Wg)
    probs = jax.nn.softmax(logits, axis=-1)
    top_w, top_i = jax.lax.top_k(probs, K)          # [B,S,K]
    top_w = top_w / jnp.sum(top_w, axis=-1, keepdims=True)
    # dense evaluation of every expert (faithful math; topk indices are distinct,
    # so weighted combine equals the original masked accumulation)
    h = jnp.einsum('bsh,efh->bsef', x, W1) + b1     # [B,S,E,F]
    h = jax.nn.silu(h)
    out_e = jnp.einsum('bsef,ehf->bseh', h, W2) + b2  # [B,S,E,H]
    onehot = jax.nn.one_hot(top_i, E, dtype=x.dtype)  # [B,S,K,E]
    comb = jnp.einsum('bsk,bske->bse', top_w, onehot)  # [B,S,E]
    out = jnp.einsum('bse,bseh->bsh', comb, out_e)
    return out * ROUTE_SCALE

if __name__ == "__main__":
    import jax
    _d = setup_inputs()
    print(jax.jit(kernel)(*tuple(_d.values())))

</pallas_src>

<mosaic_0001>
#map = affine_map<(d0, d1) -> (0, 0)>
module attributes {stable_mosaic.version = 14 : i64} {
  func.func @_combine(%arg0: i32, %arg1: i32, %arg2: memref<7680x1024xf32, #tpu.memory_space<hbm>>, %arg3: memref<2x2048xi32, #tpu.memory_space<hbm>>, %arg4: memref<4096x1024xf32, #tpu.memory_space<hbm>>, %arg5: memref<64xi32, #tpu.memory_space<vmem>>, %arg6: memref<64x1024xf32, #tpu.memory_space<vmem>>) attributes {dimension_semantics = [#tpu.dimension_semantics<core_parallel>, #tpu.dimension_semantics<subcore_parallel>], iteration_bounds = array<i64: 2, 16>, scalar_prefetch = 0 : i64, scratch_operands = 2 : i64, tpu.core_type = #tpu.core_type<sc_vector_subcore>, window_params = [{transform_indices = #map}, {transform_indices = #map}, {transform_indices = #map}]} {
    %mul3A = arith.constant 2 : i32
    %mul3A_0 = arith.muli %arg1, %mul3A : i32
    %add3A = arith.addi %mul3A_0, %arg0 : i32
    %jit3A = arith.constant 2 : i32
    %eq3A = arith.constant 0 : i32
    %eq3A_1 = arith.cmpi eq, %jit3A, %eq3A : i32
    %jit3A_2 = arith.constant 1 : i32
    %select_n3A = arith.select %eq3A_1, %jit3A_2, %jit3A : i32
    %rem3A = arith.remsi %add3A, %select_n3A : i32
    %ne3A = arith.constant 0 : i32
    %ne3A_3 = arith.cmpi ne, %rem3A, %ne3A : i32
    %lt3A = arith.constant 0 : i32
    %lt3A_4 = arith.cmpi slt, %rem3A, %lt3A : i32
    %lt3A_5 = arith.constant 0 : i32
    %lt3A_6 = arith.cmpi slt, %select_n3A, %lt3A_5 : i32
    %ne3A_7 = arith.xori %lt3A_4, %lt3A_6 : i1
    %and3A = arith.andi %ne3A_7, %ne3A_3 : i1
    %add3A_8 = arith.addi %rem3A, %select_n3A : i32
    %select_n3A_9 = arith.select %and3A, %add3A_8, %rem3A : i32
    %jit3A_10 = arith.constant 2 : i32
    %div3A = arith.divsi %add3A, %jit3A_10 : i32
    %sign3A = arith.constant 0 : i32
    %sign3A_11 = arith.cmpi sgt, %add3A, %sign3A : i32
    %sign3A_12 = arith.extui %sign3A_11 : i1 to i32
    %sign3A_13 = arith.constant 0 : i32
    %sign3A_14 = arith.cmpi slt, %add3A, %sign3A_13 : i32
    %sign3A_15 = arith.extui %sign3A_14 : i1 to i32
    %sign3A_16 = arith.subi %sign3A_12, %sign3A_15 : i32
    %sign3A_17 = arith.constant 0 : i32
    %sign3A_18 = arith.cmpi sgt, %jit3A_10, %sign3A_17 : i32
    %sign3A_19 = arith.extui %sign3A_18 : i1 to i32
    %sign3A_20 = arith.constant 0 : i32
    %sign3A_21 = arith.cmpi slt, %jit3A_10, %sign3A_20 : i32
    %sign3A_22 = arith.extui %sign3A_21 : i1 to i32
    %sign3A_23 = arith.subi %sign3A_19, %sign3A_22 : i32
    %ne3A_24 = arith.cmpi ne, %sign3A_16, %sign3A_23 : i32
    %rem3A_25 = arith.remsi %add3A, %jit3A_10 : i32
    %ne3A_26 = arith.constant 0 : i32
    %ne3A_27 = arith.cmpi ne, %rem3A_25, %ne3A_26 : i32
    %and3A_28 = arith.andi %ne3A_24, %ne3A_27 : i1
    %sub3A = arith.constant 1 : i32
    %sub3A_29 = arith.subi %div3A, %sub3A : i32
    %select_n3A_30 = arith.select %and3A_28, %sub3A_29, %div3A : i32
    %mul3A_31 = arith.constant 2 : i32
    %mul3A_32 = arith.muli %select_n3A_30, %mul3A_31 : i32
    %mul3A_33 = arith.constant 64 : i32
    %mul3A_34 = arith.muli %mul3A_32, %mul3A_33 : i32
    %add3A_35 = arith.constant 0 : i32
    %add3A_36 = arith.addi %mul3A_34, %add3A_35 : i32
    "tpu.region"() ({
      %run_scoped3A = tpu.sem_alloc : memref<!tpu.dma_semaphore, #tpu.memory_space<semaphore_mem>>
      %dma_start3A = tpu.memref_slice %arg3[%select_n3A_9, %add3A_36] : memref<2x2048xi32, #tpu.memory_space<hbm>> -> memref<1x64xi32, #tpu.memory_space<hbm>>
      %dma_start3A_49 = tpu.memref_squeeze %dma_start3A : memref<1x64xi32, #tpu.memory_space<hbm>> -> memref<64xi32, #tpu.memory_space<hbm>>
      %dma_start3A_50 = tpu.memref_slice %arg3[%select_n3A_9, %add3A_36] : memref<2x2048xi32, #tpu.memory_space<hbm>> -> memref<1x64xi32, #tpu.memory_space<hbm>>
      %dma_start3A_51 = tpu.memref_squeeze %dma_start3A_50 : memref<1x64xi32, #tpu.memory_space<hbm>> -> memref<64xi32, #tpu.memory_space<hbm>>
      tpu.enqueue_dma source(%dma_start3A_51 : memref<64xi32, #tpu.memory_space<hbm>>) target(%arg5 : memref<64xi32, #tpu.memory_space<vmem>>) target_semaphore(%run_scoped3A : memref<!tpu.dma_semaphore, #tpu.memory_space<semaphore_mem>>)
      %dma_wait3A = tpu.memref_slice %arg3[%select_n3A_9, %add3A_36] : memref<2x2048xi32, #tpu.memory_space<hbm>> -> memref<1x64xi32, #tpu.memory_space<hbm>>
      %dma_wait3A_52 = tpu.memref_squeeze %dma_wait3A : memref<1x64xi32, #tpu.memory_space<hbm>> -> memref<64xi32, #tpu.memory_space<hbm>>
      %dma_wait3A_53 = tpu.memref_slice %arg3[%select_n3A_9, %add3A_36] : memref<2x2048xi32, #tpu.memory_space<hbm>> -> memref<1x64xi32, #tpu.memory_space<hbm>>
      %dma_wait3A_54 = tpu.memref_squeeze %dma_wait3A_53 : memref<1x64xi32, #tpu.memory_space<hbm>> -> memref<64xi32, #tpu.memory_space<hbm>>
      tpu.wait_dma2 semaphore(%run_scoped3A : memref<!tpu.dma_semaphore, #tpu.memory_space<semaphore_mem>>) src(%dma_wait3A_54 : memref<64xi32, #tpu.memory_space<hbm>>) dst(%arg5 : memref<64xi32, #tpu.memory_space<vmem>>)
      tpu.yield
    }) : () -> ()
    "tpu.region"() ({
      %run_scoped3A = tpu.sem_alloc : memref<!tpu.dma_semaphore, #tpu.memory_space<semaphore_mem>>
      %dma_start3A = arith.constant 0 : i32
      %dma_start3A_49 = arith.constant 0 : i32
      %dma_start3A_50 = tpu.memref_slice %arg2[%dma_start3A, %dma_start3A_49] : memref<7680x1024xf32, #tpu.memory_space<hbm>> -> memref<7680x1024xf32, #tpu.memory_space<hbm>>
      tpu.enqueue_indirect_dma source(%dma_start3A_50 : memref<7680x1024xf32, #tpu.memory_space<hbm>>) target(%arg6 : memref<64x1024xf32, #tpu.memory_space<vmem>>) offsets(%arg5 : memref<64xi32, #tpu.memory_space<vmem>>) semaphore(%run_scoped3A : memref<!tpu.dma_semaphore, #tpu.memory_space<semaphore_mem>>)
      %dma_wait3A = arith.constant 0 : i32
      %dma_wait3A_51 = arith.constant 0 : i32
      %dma_wait3A_52 = tpu.memref_slice %arg2[%dma_wait3A, %dma_wait3A_51] : memref<7680x1024xf32, #tpu.memory_space<hbm>> -> memref<7680x1024xf32, #tpu.memory_space<hbm>>
      tpu.wait_indirect_dma semaphore(%run_scoped3A : memref<!tpu.dma_semaphore, #tpu.memory_space<semaphore_mem>>) src(%dma_wait3A_52 : memref<7680x1024xf32, #tpu.memory_space<hbm>>) dst(%arg6 : memref<64x1024xf32, #tpu.memory_space<vmem>>)
      tpu.yield
    }) : () -> ()
    %mul3A_37 = arith.constant 2048 : i32
    %mul3A_38 = arith.muli %select_n3A_9, %mul3A_37 : i32
    %add3A_39 = arith.addi %mul3A_38, %add3A_36 : i32
    "tpu.region"() ({
      %run_scoped3A = tpu.sem_alloc : memref<!tpu.dma_semaphore, #tpu.memory_space<semaphore_mem>>
      %dma_start3A = arith.constant 0 : i32
      %dma_start3A_49 = tpu.memref_slice %arg4[%add3A_39, %dma_start3A] : memref<4096x1024xf32, #tpu.memory_space<hbm>> -> memref<64x1024xf32, #tpu.memory_space<hbm>>
      %dma_start3A_50 = arith.constant 0 : i32
      %dma_start3A_51 = tpu.memref_slice %arg4[%add3A_39, %dma_start3A_50] : memref<4096x1024xf32, #tpu.memory_space<hbm>> -> memref<64x1024xf32, #tpu.memory_space<hbm>>
      tpu.enqueue_dma source(%arg6 : memref<64x1024xf32, #tpu.memory_space<vmem>>) target(%dma_start3A_51 : memref<64x1024xf32, #tpu.memory_space<hbm>>) target_semaphore(%run_scoped3A : memref<!tpu.dma_semaphore, #tpu.memory_space<semaphore_mem>>)
      %dma_wait3A = arith.constant 0 : i32
      %dma_wait3A_52 = tpu.memref_slice %arg4[%add3A_39, %dma_wait3A] : memref<4096x1024xf32, #tpu.memory_space<hbm>> -> memref<64x1024xf32, #tpu.memory_space<hbm>>
      %dma_wait3A_53 = arith.constant 0 : i32
      %dma_wait3A_54 = tpu.memref_slice %arg4[%add3A_39, %dma_wait3A_53] : memref<4096x1024xf32, #tpu.memory_space<hbm>> -> memref<64x1024xf32, #tpu.memory_space<hbm>>
      tpu.wait_dma2 semaphore(%run_scoped3A : memref<!tpu.dma_semaphore, #tpu.memory_space<semaphore_mem>>) src(%arg6 : memref<64x1024xf32, #tpu.memory_space<vmem>>) dst(%dma_wait3A_54 : memref<64x1024xf32, #tpu.memory_space<hbm>>)
      tpu.yield
    }) : () -> ()
    %mul3A_40 = arith.constant 2 : i32
    %mul3A_41 = arith.muli %select_n3A_30, %mul3A_40 : i32
    %mul3A_42 = arith.constant 64 : i32
    %mul3A_43 = arith.muli %mul3A_41, %mul3A_42 : i32
    %add3A_44 = arith.constant 64 : i32
    %add3A_45 = arith.addi %mul3A_43, %add3A_44 : i32
    "tpu.region"() ({
      %run_scoped3A = tpu.sem_alloc : memref<!tpu.dma_semaphore, #tpu.memory_space<semaphore_mem>>
      %dma_start3A = tpu.memref_slice %arg3[%select_n3A_9, %add3A_45] : memref<2x2048xi32, #tpu.memory_space<hbm>> -> memref<1x64xi32, #tpu.memory_space<hbm>>
      %dma_start3A_49 = tpu.memref_squeeze %dma_start3A : memref<1x64xi32, #tpu.memory_space<hbm>> -> memref<64xi32, #tpu.memory_space<hbm>>
      %dma_start3A_50 = tpu.memref_slice %arg3[%select_n3A_9, %add3A_45] : memref<2x2048xi32, #tpu.memory_space<hbm>> -> memref<1x64xi32, #tpu.memory_space<hbm>>
      %dma_start3A_51 = tpu.memref_squeeze %dma_start3A_50 : memref<1x64xi32, #tpu.memory_space<hbm>> -> memref<64xi32, #tpu.memory_space<hbm>>
      tpu.enqueue_dma source(%dma_start3A_51 : memref<64xi32, #tpu.memory_space<hbm>>) target(%arg5 : memref<64xi32, #tpu.memory_space<vmem>>) target_semaphore(%run_scoped3A : memref<!tpu.dma_semaphore, #tpu.memory_space<semaphore_mem>>)
      %dma_wait3A = tpu.memref_slice %arg3[%select_n3A_9, %add3A_45] : memref<2x2048xi32, #tpu.memory_space<hbm>> -> memref<1x64xi32, #tpu.memory_space<hbm>>
      %dma_wait3A_52 = tpu.memref_squeeze %dma_wait3A : memref<1x64xi32, #tpu.memory_space<hbm>> -> memref<64xi32, #tpu.memory_space<hbm>>
      %dma_wait3A_53 = tpu.memref_slice %arg3[%select_n3A_9, %add3A_45] : memref<2x2048xi32, #tpu.memory_space<hbm>> -> memref<1x64xi32, #tpu.memory_space<hbm>>
      %dma_wait3A_54 = tpu.memref_squeeze %dma_wait3A_53 : memref<1x64xi32, #tpu.memory_space<hbm>> -> memref<64xi32, #tpu.memory_space<hbm>>
      tpu.wait_dma2 semaphore(%run_scoped3A : memref<!tpu.dma_semaphore, #tpu.memory_space<semaphore_mem>>) src(%dma_wait3A_54 : memref<64xi32, #tpu.memory_space<hbm>>) dst(%arg5 : memref<64xi32, #tpu.memory_space<vmem>>)
      tpu.yield
    }) : () -> ()
    "tpu.region"() ({
      %run_scoped3A = tpu.sem_alloc : memref<!tpu.dma_semaphore, #tpu.memory_space<semaphore_mem>>
      %dma_start3A = arith.constant 0 : i32
      %dma_start3A_49 = arith.constant 0 : i32
      %dma_start3A_50 = tpu.memref_slice %arg2[%dma_start3A, %dma_start3A_49] : memref<7680x1024xf32, #tpu.memory_space<hbm>> -> memref<7680x1024xf32, #tpu.memory_space<hbm>>
      tpu.enqueue_indirect_dma source(%dma_start3A_50 : memref<7680x1024xf32, #tpu.memory_space<hbm>>) target(%arg6 : memref<64x1024xf32, #tpu.memory_space<vmem>>) offsets(%arg5 : memref<64xi32, #tpu.memory_space<vmem>>) semaphore(%run_scoped3A : memref<!tpu.dma_semaphore, #tpu.memory_space<semaphore_mem>>)
      %dma_wait3A = arith.constant 0 : i32
      %dma_wait3A_51 = arith.constant 0 : i32
      %dma_wait3A_52 = tpu.memref_slice %arg2[%dma_wait3A, %dma_wait3A_51] : memref<7680x1024xf32, #tpu.memory_space<hbm>> -> memref<7680x1024xf32, #tpu.memory_space<hbm>>
      tpu.wait_indirect_dma semaphore(%run_scoped3A : memref<!tpu.dma_semaphore, #tpu.memory_space<semaphore_mem>>) src(%dma_wait3A_52 : memref<7680x1024xf32, #tpu.memory_space<hbm>>) dst(%arg6 : memref<64x1024xf32, #tpu.memory_space<vmem>>)
      tpu.yield
    }) : () -> ()
    %mul3A_46 = arith.constant 2048 : i32
    %mul3A_47 = arith.muli %select_n3A_9, %mul3A_46 : i32
    %add3A_48 = arith.addi %mul3A_47, %add3A_45 : i32
    "tpu.region"() ({
      %run_scoped3A = tpu.sem_alloc : memref<!tpu.dma_semaphore, #tpu.memory_space<semaphore_mem>>
      %dma_start3A = arith.constant 0 : i32
      %dma_start3A_49 = tpu.memref_slice %arg4[%add3A_48, %dma_start3A] : memref<4096x1024xf32, #tpu.memory_space<hbm>> -> memref<64x1024xf32, #tpu.memory_space<hbm>>
      %dma_start3A_50 = arith.constant 0 : i32
      %dma_start3A_51 = tpu.memref_slice %arg4[%add3A_48, %dma_start3A_50] : memref<4096x1024xf32, #tpu.memory_space<hbm>> -> memref<64x1024xf32, #tpu.memory_space<hbm>>
      tpu.enqueue_dma source(%arg6 : memref<64x1024xf32, #tpu.memory_space<vmem>>) target(%dma_start3A_51 : memref<64x1024xf32, #tpu.memory_space<hbm>>) target_semaphore(%run_scoped3A : memref<!tpu.dma_semaphore, #tpu.memory_space<semaphore_mem>>)
      %dma_wait3A = arith.constant 0 : i32
      %dma_wait3A_52 = tpu.memref_slice %arg4[%add3A_48, %dma_wait3A] : memref<4096x1024xf32, #tpu.memory_space<hbm>> -> memref<64x1024xf32, #tpu.memory_space<hbm>>
      %dma_wait3A_53 = arith.constant 0 : i32
      %dma_wait3A_54 = tpu.memref_slice %arg4[%add3A_48, %dma_wait3A_53] : memref<4096x1024xf32, #tpu.memory_space<hbm>> -> memref<64x1024xf32, #tpu.memory_space<hbm>>
      tpu.wait_dma2 semaphore(%run_scoped3A : memref<!tpu.dma_semaphore, #tpu.memory_space<semaphore_mem>>) src(%arg6 : memref<64x1024xf32, #tpu.memory_space<vmem>>) dst(%dma_wait3A_54 : memref<64x1024xf32, #tpu.memory_space<hbm>>)
      tpu.yield
    }) : () -> ()
    return
  }
}

#map = affine_map<(d0, d1) -> (0, 0)>
module attributes {stable_mosaic.version = 14 : i64} {
  func.func @_dispatch(%arg0: i32, %arg1: i32, %arg2: memref<2048x1024xf32, #tpu.memory_space<hbm>>, %arg3: memref<2x2048xi32, #tpu.memory_space<hbm>>, %arg4: memref<4096x128xf32, #tpu.memory_space<hbm>>, %arg5: memref<7680x1024xf32, #tpu.memory_space<hbm>>, %arg6: memref<7680x128xf32, #tpu.memory_space<hbm>>, %arg7: memref<64xi32, #tpu.memory_space<vmem>>, %arg8: memref<64xi32, #tpu.memory_space<vmem>>, %arg9: memref<64x1024xf32, #tpu.memory_space<vmem>>, %arg10: memref<64x128xf32, #tpu.memory_space<vmem>>, %arg11: memref<64x128xf32, #tpu.memory_space<vmem>>, %arg12: memref<!tpu.dma_semaphore, #tpu.memory_space<semaphore_mem>>, %arg13: memref<!tpu.dma_semaphore, #tpu.memory_space<semaphore_mem>>) attributes {dimension_semantics = [#tpu.dimension_semantics<core_parallel>, #tpu.dimension_semantics<subcore_parallel>], iteration_bounds = array<i64: 2, 16>, scalar_prefetch = 0 : i64, scratch_operands = 7 : i64, tpu.core_type = #tpu.core_type<sc_vector_subcore>, window_params = [{transform_indices = #map}, {transform_indices = #map}, {transform_indices = #map}, {transform_indices = #map}, {transform_indices = #map}]} {
    %mul3A = arith.constant 2 : i32
    %mul3A_0 = arith.muli %arg1, %mul3A : i32
    %add3A = arith.addi %mul3A_0, %arg0 : i32
    %mul3A_1 = arith.constant 64 : i32
    %mul3A_2 = arith.muli %add3A, %mul3A_1 : i32
    %dma_start3A = arith.constant 0 : i32
    %dma_start3A_3 = tpu.memref_slice %arg3[%dma_start3A, %mul3A_2] : memref<2x2048xi32, #tpu.memory_space<hbm>> -> memref<1x64xi32, #tpu.memory_space<hbm>>
    %dma_start3A_4 = tpu.memref_squeeze %dma_start3A_3 : memref<1x64xi32, #tpu.memory_space<hbm>> -> memref<64xi32, #tpu.memory_space<hbm>>
    %dma_start3A_5 = tpu.memref_slice %arg3[%dma_start3A, %mul3A_2] : memref<2x2048xi32, #tpu.memory_space<hbm>> -> memref<1x64xi32, #tpu.memory_space<hbm>>
    %dma_start3A_6 = tpu.memref_squeeze %dma_start3A_5 : memref<1x64xi32, #tpu.memory_space<hbm>> -> memref<64xi32, #tpu.memory_space<hbm>>
    tpu.enqueue_dma source(%dma_start3A_6 : memref<64xi32, #tpu.memory_space<hbm>>) target(%arg7 : memref<64xi32, #tpu.memory_space<vmem>>) target_semaphore(%arg12 : memref<!tpu.dma_semaphore, #tpu.memory_space<semaphore_mem>>)
    %dma_start3A_7 = arith.constant 1 : i32
    %dma_start3A_8 = tpu.memref_slice %arg3[%dma_start3A_7, %mul3A_2] : memref<2x2048xi32, #tpu.memory_space<hbm>> -> memref<1x64xi32, #tpu.memory_space<hbm>>
    %dma_start3A_9 = tpu.memref_squeeze %dma_start3A_8 : memref<1x64xi32, #tpu.memory_space<hbm>> -> memref<64xi32, #tpu.memory_space<hbm>>
    %dma_start3A_10 = tpu.memref_slice %arg3[%dma_start3A_7, %mul3A_2] : memref<2x2048xi32, #tpu.memory_space<hbm>> -> memref<1x64xi32, #tpu.memory_space<hbm>>
    %dma_start3A_11 = tpu.memref_squeeze %dma_start3A_10 : memref<1x64xi32, #tpu.memory_space<hbm>> -> memref<64xi32, #tpu.memory_space<hbm>>
    tpu.enqueue_dma source(%dma_start3A_11 : memref<64xi32, #tpu.memory_space<hbm>>) target(%arg8 : memref<64xi32, #tpu.memory_space<vmem>>) target_semaphore(%arg12 : memref<!tpu.dma_semaphore, #tpu.memory_space<semaphore_mem>>)
    %dma_start3A_12 = arith.constant 0 : i32
    %dma_start3A_13 = tpu.memref_slice %arg2[%mul3A_2, %dma_start3A_12] : memref<2048x1024xf32, #tpu.memory_space<hbm>> -> memref<64x1024xf32, #tpu.memory_space<hbm>>
    %dma_start3A_14 = arith.constant 0 : i32
    %dma_start3A_15 = tpu.memref_slice %arg2[%mul3A_2, %dma_start3A_14] : memref<2048x1024xf32, #tpu.memory_space<hbm>> -> memref<64x1024xf32, #tpu.memory_space<hbm>>
    tpu.enqueue_dma source(%dma_start3A_15 : memref<64x1024xf32, #tpu.memory_space<hbm>>) target(%arg9 : memref<64x1024xf32, #tpu.memory_space<vmem>>) target_semaphore(%arg12 : memref<!tpu.dma_semaphore, #tpu.memory_space<semaphore_mem>>)
    %dma_start3A_16 = arith.constant 0 : i32
    %dma_start3A_17 = tpu.memref_slice %arg4[%mul3A_2, %dma_start3A_16] : memref<4096x128xf32, #tpu.memory_space<hbm>> -> memref<64x128xf32, #tpu.memory_space<hbm>>
    %dma_start3A_18 = arith.constant 0 : i32
    %dma_start3A_19 = tpu.memref_slice %arg4[%mul3A_2, %dma_start3A_18] : memref<4096x128xf32, #tpu.memory_space<hbm>> -> memref<64x128xf32, #tpu.memory_space<hbm>>
    tpu.enqueue_dma source(%dma_start3A_19 : memref<64x128xf32, #tpu.memory_space<hbm>>) target(%arg10 : memref<64x128xf32, #tpu.memory_space<vmem>>) target_semaphore(%arg12 : memref<!tpu.dma_semaphore, #tpu.memory_space<semaphore_mem>>)
    %add3A_20 = arith.constant 2048 : i32
    %add3A_21 = arith.addi %add3A_20, %mul3A_2 : i32
    %dma_start3A_22 = arith.constant 0 : i32
    %dma_start3A_23 = tpu.memref_slice %arg4[%add3A_21, %dma_start3A_22] : memref<4096x128xf32, #tpu.memory_space<hbm>> -> memref<64x128xf32, #tpu.memory_space<hbm>>
    %dma_start3A_24 = arith.constant 0 : i32
    %dma_start3A_25 = tpu.memref_slice %arg4[%add3A_21, %dma_start3A_24] : memref<4096x128xf32, #tpu.memory_space<hbm>> -> memref<64x128xf32, #tpu.memory_space<hbm>>
    tpu.enqueue_dma source(%dma_start3A_25 : memref<64x128xf32, #tpu.memory_space<hbm>>) target(%arg11 : memref<64x128xf32, #tpu.memory_space<vmem>>) target_semaphore(%arg12 : memref<!tpu.dma_semaphore, #tpu.memory_space<semaphore_mem>>)
    %dma_wait3A = arith.constant 0 : i32
    %dma_wait3A_26 = tpu.memref_slice %arg3[%dma_wait3A, %mul3A_2] : memref<2x2048xi32, #tpu.memory_space<hbm>> -> memref<1x64xi32, #tpu.memory_space<hbm>>
    %dma_wait3A_27 = tpu.memref_squeeze %dma_wait3A_26 : memref<1x64xi32, #tpu.memory_space<hbm>> -> memref<64xi32, #tpu.memory_space<hbm>>
    %dma_wait3A_28 = tpu.memref_slice %arg3[%dma_wait3A, %mul3A_2] : memref<2x2048xi32, #tpu.memory_space<hbm>> -> memref<1x64xi32, #tpu.memory_space<hbm>>
    %dma_wait3A_29 = tpu.memref_squeeze %dma_wait3A_28 : memref<1x64xi32, #tpu.memory_space<hbm>> -> memref<64xi32, #tpu.memory_space<hbm>>
    tpu.wait_dma2 semaphore(%arg12 : memref<!tpu.dma_semaphore, #tpu.memory_space<semaphore_mem>>) src(%dma_wait3A_29 : memref<64xi32, #tpu.memory_space<hbm>>) dst(%arg7 : memref<64xi32, #tpu.memory_space<vmem>>)
    %dma_wait3A_30 = arith.constant 1 : i32
    %dma_wait3A_31 = tpu.memref_slice %arg3[%dma_wait3A_30, %mul3A_2] : memref<2x2048xi32, #tpu.memory_space<hbm>> -> memref<1x64xi32, #tpu.memory_space<hbm>>
    %dma_wait3A_32 = tpu.memref_squeeze %dma_wait3A_31 : memref<1x64xi32, #tpu.memory_space<hbm>> -> memref<64xi32, #tpu.memory_space<hbm>>
    %dma_wait3A_33 = tpu.memref_slice %arg3[%dma_wait3A_30, %mul3A_2] : memref<2x2048xi32, #tpu.memory_space<hbm>> -> memref<1x64xi32, #tpu.memory_space<hbm>>
    %dma_wait3A_34 = tpu.memref_squeeze %dma_wait3A_33 : memref<1x64xi32, #tpu.memory_space<hbm>> -> memref<64xi32, #tpu.memory_space<hbm>>
    tpu.wait_dma2 semaphore(%arg12 : memref<!tpu.dma_semaphore, #tpu.memory_space<semaphore_mem>>) src(%dma_wait3A_34 : memref<64xi32, #tpu.memory_space<hbm>>) dst(%arg8 : memref<64xi32, #tpu.memory_space<vmem>>)
    %dma_wait3A_35 = arith.constant 0 : i32
    %dma_wait3A_36 = tpu.memref_slice %arg2[%mul3A_2, %dma_wait3A_35] : memref<2048x1024xf32, #tpu.memory_space<hbm>> -> memref<64x1024xf32, #tpu.memory_space<hbm>>
    %dma_wait3A_37 = arith.constant 0 : i32
    %dma_wait3A_38 = tpu.memref_slice %arg2[%mul3A_2, %dma_wait3A_37] : memref<2048x1024xf32, #tpu.memory_space<hbm>> -> memref<64x1024xf32, #tpu.memory_space<hbm>>
    tpu.wait_dma2 semaphore(%arg12 : memref<!tpu.dma_semaphore, #tpu.memory_space<semaphore_mem>>) src(%dma_wait3A_38 : memref<64x1024xf32, #tpu.memory_space<hbm>>) dst(%arg9 : memref<64x1024xf32, #tpu.memory_space<vmem>>)
    %dma_wait3A_39 = arith.constant 0 : i32
    %dma_wait3A_40 = tpu.memref_slice %arg4[%mul3A_2, %dma_wait3A_39] : memref<4096x128xf32, #tpu.memory_space<hbm>> -> memref<64x128xf32, #tpu.memory_space<hbm>>
    %dma_wait3A_41 = arith.constant 0 : i32
    %dma_wait3A_42 = tpu.memref_slice %arg4[%mul3A_2, %dma_wait3A_41] : memref<4096x128xf32, #tpu.memory_space<hbm>> -> memref<64x128xf32, #tpu.memory_space<hbm>>
    tpu.wait_dma2 semaphore(%arg12 : memref<!tpu.dma_semaphore, #tpu.memory_space<semaphore_mem>>) src(%dma_wait3A_42 : memref<64x128xf32, #tpu.memory_space<hbm>>) dst(%arg10 : memref<64x128xf32, #tpu.memory_space<vmem>>)
    %dma_wait3A_43 = arith.constant 0 : i32
    %dma_wait3A_44 = tpu.memref_slice %arg4[%add3A_21, %dma_wait3A_43] : memref<4096x128xf32, #tpu.memory_space<hbm>> -> memref<64x128xf32, #tpu.memory_space<hbm>>
    %dma_wait3A_45 = arith.constant 0 : i32
    %dma_wait3A_46 = tpu.memref_slice %arg4[%add3A_21, %dma_wait3A_45] : memref<4096x128xf32, #tpu.memory_space<hbm>> -> memref<64x128xf32, #tpu.memory_space<hbm>>
    tpu.wait_dma2 semaphore(%arg12 : memref<!tpu.dma_semaphore, #tpu.memory_space<semaphore_mem>>) src(%dma_wait3A_46 : memref<64x128xf32, #tpu.memory_space<hbm>>) dst(%arg11 : memref<64x128xf32, #tpu.memory_space<vmem>>)
    %dma_start3A_47 = arith.constant 0 : i32
    %dma_start3A_48 = arith.constant 0 : i32
    %dma_start3A_49 = tpu.memref_slice %arg5[%dma_start3A_47, %dma_start3A_48] : memref<7680x1024xf32, #tpu.memory_space<hbm>> -> memref<7680x1024xf32, #tpu.memory_space<hbm>>
    tpu.enqueue_indirect_dma source(%arg9 : memref<64x1024xf32, #tpu.memory_space<vmem>>) target(%dma_start3A_49 : memref<7680x1024xf32, #tpu.memory_space<hbm>>) offsets(%arg7 : memref<64xi32, #tpu.memory_space<vmem>>) semaphore(%arg13 : memref<!tpu.dma_semaphore, #tpu.memory_space<semaphore_mem>>)
    %dma_start3A_50 = arith.constant 0 : i32
    %dma_start3A_51 = arith.constant 0 : i32
    %dma_start3A_52 = tpu.memref_slice %arg5[%dma_start3A_50, %dma_start3A_51] : memref<7680x1024xf32, #tpu.memory_space<hbm>> -> memref<7680x1024xf32, #tpu.memory_space<hbm>>
    tpu.enqueue_indirect_dma source(%arg9 : memref<64x1024xf32, #tpu.memory_space<vmem>>) target(%dma_start3A_52 : memref<7680x1024xf32, #tpu.memory_space<hbm>>) offsets(%arg8 : memref<64xi32, #tpu.memory_space<vmem>>) semaphore(%arg13 : memref<!tpu.dma_semaphore, #tpu.memory_space<semaphore_mem>>)
    %dma_start3A_53 = arith.constant 0 : i32
    %dma_start3A_54 = arith.constant 0 : i32
    %dma_start3A_55 = tpu.memref_slice %arg6[%dma_start3A_53, %dma_start3A_54] : memref<7680x128xf32, #tpu.memory_space<hbm>> -> memref<7680x128xf32, #tpu.memory_space<hbm>>
    tpu.enqueue_indirect_dma source(%arg10 : memref<64x128xf32, #tpu.memory_space<vmem>>) target(%dma_start3A_55 : memref<7680x128xf32, #tpu.memory_space<hbm>>) offsets(%arg7 : memref<64xi32, #tpu.memory_space<vmem>>) semaphore(%arg13 : memref<!tpu.dma_semaphore, #tpu.memory_space<semaphore_mem>>)
    %dma_start3A_56 = arith.constant 0 : i32
    %dma_start3A_57 = arith.constant 0 : i32
    %dma_start3A_58 = tpu.memref_slice %arg6[%dma_start3A_56, %dma_start3A_57] : memref<7680x128xf32, #tpu.memory_space<hbm>> -> memref<7680x128xf32, #tpu.memory_space<hbm>>
    tpu.enqueue_indirect_dma source(%arg11 : memref<64x128xf32, #tpu.memory_space<vmem>>) target(%dma_start3A_58 : memref<7680x128xf32, #tpu.memory_space<hbm>>) offsets(%arg8 : memref<64xi32, #tpu.memory_space<vmem>>) semaphore(%arg13 : memref<!tpu.dma_semaphore, #tpu.memory_space<semaphore_mem>>)
    %dma_wait3A_59 = arith.constant 0 : i32
    %dma_wait3A_60 = arith.constant 0 : i32
    %dma_wait3A_61 = tpu.memref_slice %arg5[%dma_wait3A_59, %dma_wait3A_60] : memref<7680x1024xf32, #tpu.memory_space<hbm>> -> memref<7680x1024xf32, #tpu.memory_space<hbm>>
    tpu.wait_indirect_dma semaphore(%arg13 : memref<!tpu.dma_semaphore, #tpu.memory_space<semaphore_mem>>) src(%arg9 : memref<64x1024xf32, #tpu.memory_space<vmem>>) dst(%dma_wait3A_61 : memref<7680x1024xf32, #tpu.memory_space<hbm>>)
    %dma_wait3A_62 = arith.constant 0 : i32
    %dma_wait3A_63 = arith.constant 0 : i32
    %dma_wait3A_64 = tpu.memref_slice %arg5[%dma_wait3A_62, %dma_wait3A_63] : memref<7680x1024xf32, #tpu.memory_space<hbm>> -> memref<7680x1024xf32, #tpu.memory_space<hbm>>
    tpu.wait_indirect_dma semaphore(%arg13 : memref<!tpu.dma_semaphore, #tpu.memory_space<semaphore_mem>>) src(%arg9 : memref<64x1024xf32, #tpu.memory_space<vmem>>) dst(%dma_wait3A_64 : memref<7680x1024xf32, #tpu.memory_space<hbm>>)
    %dma_wait3A_65 = arith.constant 0 : i32
    %dma_wait3A_66 = arith.constant 0 : i32
    %dma_wait3A_67 = tpu.memref_slice %arg6[%dma_wait3A_65, %dma_wait3A_66] : memref<7680x128xf32, #tpu.memory_space<hbm>> -> memref<7680x128xf32, #tpu.memory_space<hbm>>
    tpu.wait_indirect_dma semaphore(%arg13 : memref<!tpu.dma_semaphore, #tpu.memory_space<semaphore_mem>>) src(%arg10 : memref<64x128xf32, #tpu.memory_space<vmem>>) dst(%dma_wait3A_67 : memref<7680x128xf32, #tpu.memory_space<hbm>>)
    %dma_wait3A_68 = arith.constant 0 : i32
    %dma_wait3A_69 = arith.constant 0 : i32
    %dma_wait3A_70 = tpu.memref_slice %arg6[%dma_wait3A_68, %dma_wait3A_69] : memref<7680x128xf32, #tpu.memory_space<hbm>> -> memref<7680x128xf32, #tpu.memory_space<hbm>>
    tpu.wait_indirect_dma semaphore(%arg13 : memref<!tpu.dma_semaphore, #tpu.memory_space<semaphore_mem>>) src(%arg11 : memref<64x128xf32, #tpu.memory_space<vmem>>) dst(%dma_wait3A_70 : memref<7680x128xf32, #tpu.memory_space<hbm>>)
    return
  }
}

module attributes {stable_mosaic.version = 14 : i64} {
  func.func @_router_kernel(%arg0: memref<2048x1024xf32, #tpu.memory_space<vmem>>, %arg1: memref<8x1024xf32, #tpu.memory_space<vmem>>, %arg2: memref<2x2048xi32, #tpu.memory_space<vmem>>, %arg3: memref<4096x128xf32, #tpu.memory_space<vmem>>, %arg4: memref<1x16xi32, #tpu.memory_space<vmem>>) attributes {dimension_semantics = [], scalar_prefetch = 0 : i64, scratch_operands = 0 : i64, tpu.core_type = #tpu.core_type<tc>} {
    %get3A = arith.constant 0 : index
    %get3A_0 = arith.constant 0 : index
    %get3A_1 = vector.load %arg0[%get3A, %get3A_0] : memref<2048x1024xf32, #tpu.memory_space<vmem>>, vector<2048x1024xf32>
    %get3A_2 = arith.constant 0 : index
    %get3A_3 = arith.constant 0 : index
    %get3A_4 = vector.load %arg1[%get3A_2, %get3A_3] : memref<8x1024xf32, #tpu.memory_space<vmem>>, vector<8x1024xf32>
    %dot_general3A = arith.constant dense<0.000000e+00> : vector<2048x8xf32>
    %dot_general3A_5 = tpu.matmul %get3A_1, %get3A_4, %dot_general3A {dimension_numbers = #tpu.dot_dimension_numbers<[1], [1], [0], [0], [0, 0, 1, 0], [], []>, transpose_lhs_hint = false} : vector<2048x1024xf32>, vector<8x1024xf32>, vector<2048x8xf32> -> vector<2048x8xf32>
    %reduce_max3A = arith.constant dense<0xFF800000> : vector<2048xf32>
    %reduce_max3A_6 = vector.multi_reduction <maximumf>, %dot_general3A_5, %reduce_max3A [1] : vector<2048x8xf32> to vector<2048xf32>
    %broadcast_in_dim3A = vector.shape_cast %reduce_max3A_6 : vector<2048xf32> to vector<2048x1xf32>
    %sub3A = vector.broadcast %broadcast_in_dim3A : vector<2048x1xf32> to vector<2048x8xf32>
    %sub3A_7 = arith.subf %dot_general3A_5, %sub3A : vector<2048x8xf32>
    %exp3A = math.exp %sub3A_7 : vector<2048x8xf32>
    %reduce_sum3A = arith.constant dense<0.000000e+00> : vector<2048xf32>
    %reduce_sum3A_8 = vector.multi_reduction <add>, %exp3A, %reduce_sum3A [1] : vector<2048x8xf32> to vector<2048xf32>
    %broadcast_in_dim3A_9 = vector.shape_cast %reduce_sum3A_8 : vector<2048xf32> to vector<2048x1xf32>
    %div3A = vector.broadcast %broadcast_in_dim3A_9 : vector<2048x1xf32> to vector<2048x8xf32>
    %div3A_10 = arith.divf %exp3A, %div3A : vector<2048x8xf32>
    %iota3A = tpu.iota {dimensions = array<i32: 1>} : vector<2048x8xi32>
    %reduce_max3A_11 = arith.constant dense<0xFF800000> : vector<2048xf32>
    %reduce_max3A_12 = vector.multi_reduction <maximumf>, %div3A_10, %reduce_max3A_11 [1] : vector<2048x8xf32> to vector<2048xf32>
    %broadcast_in_dim3A_13 = vector.shape_cast %reduce_max3A_12 : vector<2048xf32> to vector<2048x1xf32>
    %eq3A = vector.broadcast %broadcast_in_dim3A_13 : vector<2048x1xf32> to vector<2048x8xf32>
    %eq3A_14 = arith.cmpf oeq, %div3A_10, %eq3A : vector<2048x8xf32>
    %jit3A = arith.constant 8 : i32
    %broadcast_in_dim3A_15 = vector.broadcast %jit3A : i32 to vector<2048x8xi32>
    %select_n3A = arith.select %eq3A_14, %iota3A, %broadcast_in_dim3A_15 : vector<2048x8xi1>, vector<2048x8xi32>
    %reduce_min3A = arith.constant dense<2147483647> : vector<2048xi32>
    %reduce_min3A_16 = vector.multi_reduction <minsi>, %select_n3A, %reduce_min3A [1] : vector<2048x8xi32> to vector<2048xi32>
    %broadcast_in_dim3A_17 = vector.shape_cast %reduce_min3A_16 : vector<2048xi32> to vector<2048x1xi32>
    %eq3A_18 = vector.broadcast %broadcast_in_dim3A_17 : vector<2048x1xi32> to vector<2048x8xi32>
    %eq3A_19 = arith.cmpi eq, %iota3A, %eq3A_18 : vector<2048x8xi32>
    %jit3A_20 = arith.constant 0xFF800000 : f32
    %broadcast_in_dim3A_21 = vector.broadcast %jit3A_20 : f32 to vector<2048x8xf32>
    %select_n3A_22 = arith.select %eq3A_19, %broadcast_in_dim3A_21, %div3A_10 : vector<2048x8xi1>, vector<2048x8xf32>
    %reduce_max3A_23 = arith.constant dense<0xFF800000> : vector<2048xf32>
    %reduce_max3A_24 = vector.multi_reduction <maximumf>, %select_n3A_22, %reduce_max3A_23 [1] : vector<2048x8xf32> to vector<2048xf32>
    %broadcast_in_dim3A_25 = vector.shape_cast %reduce_max3A_24 : vector<2048xf32> to vector<2048x1xf32>
    %eq3A_26 = vector.broadcast %broadcast_in_dim3A_25 : vector<2048x1xf32> to vector<2048x8xf32>
    %eq3A_27 = arith.cmpf oeq, %select_n3A_22, %eq3A_26 : vector<2048x8xf32>
    %jit3A_28 = arith.constant 8 : i32
    %broadcast_in_dim3A_29 = vector.broadcast %jit3A_28 : i32 to vector<2048x8xi32>
    %select_n3A_30 = arith.select %eq3A_27, %iota3A, %broadcast_in_dim3A_29 : vector<2048x8xi1>, vector<2048x8xi32>
    %reduce_min3A_31 = arith.constant dense<2147483647> : vector<2048xi32>
    %reduce_min3A_32 = vector.multi_reduction <minsi>, %select_n3A_30, %reduce_min3A_31 [1] : vector<2048x8xi32> to vector<2048xi32>
    %broadcast_in_dim3A_33 = vector.shape_cast %reduce_min3A_32 : vector<2048xi32> to vector<2048x1xi32>
    %eq3A_34 = vector.broadcast %broadcast_in_dim3A_33 : vector<2048x1xi32> to vector<2048x8xi32>
    %eq3A_35 = arith.cmpi eq, %iota3A, %eq3A_34 : vector<2048x8xi32>
    %add3A = arith.addf %broadcast_in_dim3A_13, %broadcast_in_dim3A_25 : vector<2048x1xf32>
    %div3A_36 = arith.divf %broadcast_in_dim3A_13, %add3A : vector<2048x1xf32>
    %div3A_37 = arith.divf %broadcast_in_dim3A_25, %add3A : vector<2048x1xf32>
    %jit3A_38 = arith.constant 1.000000e+00 : f32
    %jit3A_39 = arith.constant 0.000000e+00 : f32
    %broadcast_in_dim3A_40 = vector.broadcast %jit3A_38 : f32 to vector<2048x8xf32>
    %broadcast_in_dim3A_41 = vector.broadcast %jit3A_39 : f32 to vector<2048x8xf32>
    %select_n3A_42 = arith.select %eq3A_19, %broadcast_in_dim3A_40, %broadcast_in_dim3A_41 : vector<2048x8xi1>, vector<2048x8xf32>
    %jit3A_43 = arith.constant 1.000000e+00 : f32
    %jit3A_44 = arith.constant 0.000000e+00 : f32
    %broadcast_in_dim3A_45 = vector.broadcast %jit3A_43 : f32 to vector<2048x8xf32>
    %broadcast_in_dim3A_46 = vector.broadcast %jit3A_44 : f32 to vector<2048x8xf32>
    %select_n3A_47 = arith.select %eq3A_35, %broadcast_in_dim3A_45, %broadcast_in_dim3A_46 : vector<2048x8xi1>, vector<2048x8xf32>
    %add3A_48 = arith.addf %select_n3A_42, %select_n3A_47 : vector<2048x8xf32>
    %broadcast_in_dim3A_49 = arith.constant 0.000000e+00 : f32
    %broadcast_in_dim3A_50 = vector.broadcast %broadcast_in_dim3A_49 : f32 to vector<1x8xf32>
    %slice3A = vector.extract_strided_slice %add3A_48 {offsets = [0, 0], sizes = [2047, 8], strides = [1, 1]} : vector<2048x8xf32> to vector<2047x8xf32>
    %concatenate3A = tpu.concatenate %broadcast_in_dim3A_50, %slice3A in 0 : vector<1x8xf32>, vector<2047x8xf32> -> vector<2048x8xf32>
    %add3A_51 = arith.addf %add3A_48, %concatenate3A : vector<2048x8xf32>
    %broadcast_in_dim3A_52 = arith.constant 0.000000e+00 : f32
    %broadcast_in_dim3A_53 = vector.broadcast %broadcast_in_dim3A_52 : f32 to vector<2x8xf32>
    %slice3A_54 = vector.extract_strided_slice %add3A_51 {offsets = [0, 0], sizes = [2046, 8], strides = [1, 1]} : vector<2048x8xf32> to vector<2046x8xf32>
    %concatenate3A_55 = tpu.concatenate %broadcast_in_dim3A_53, %slice3A_54 in 0 : vector<2x8xf32>, vector<2046x8xf32> -> vector<2048x8xf32>
    %add3A_56 = arith.addf %add3A_51, %concatenate3A_55 : vector<2048x8xf32>
    %broadcast_in_dim3A_57 = arith.constant 0.000000e+00 : f32
    %broadcast_in_dim3A_58 = vector.broadcast %broadcast_in_dim3A_57 : f32 to vector<4x8xf32>
    %slice3A_59 = vector.extract_strided_slice %add3A_56 {offsets = [0, 0], sizes = [2044, 8], strides = [1, 1]} : vector<2048x8xf32> to vector<2044x8xf32>
    %concatenate3A_60 = tpu.concatenate %broadcast_in_dim3A_58, %slice3A_59 in 0 : vector<4x8xf32>, vector<2044x8xf32> -> vector<2048x8xf32>
    %add3A_61 = arith.addf %add3A_56, %concatenate3A_60 : vector<2048x8xf32>
    %broadcast_in_dim3A_62 = arith.constant 0.000000e+00 : f32
    %broadcast_in_dim3A_63 = vector.broadcast %broadcast_in_dim3A_62 : f32 to vector<8x8xf32>
    %slice3A_64 = vector.extract_strided_slice %add3A_61 {offsets = [0, 0], sizes = [2040, 8], strides = [1, 1]} : vector<2048x8xf32> to vector<2040x8xf32>
    %concatenate3A_65 = tpu.concatenate %broadcast_in_dim3A_63, %slice3A_64 in 0 : vector<8x8xf32>, vector<2040x8xf32> -> vector<2048x8xf32>
    %add3A_66 = arith.addf %add3A_61, %concatenate3A_65 : vector<2048x8xf32>
    %broadcast_in_dim3A_67 = arith.constant 0.000000e+00 : f32
    %broadcast_in_dim3A_68 = vector.broadcast %broadcast_in_dim3A_67 : f32 to vector<16x8xf32>
    %slice3A_69 = vector.extract_strided_slice %add3A_66 {offsets = [0, 0], sizes = [2032, 8], strides = [1, 1]} : vector<2048x8xf32> to vector<2032x8xf32>
    %concatenate3A_70 = tpu.concatenate %broadcast_in_dim3A_68, %slice3A_69 in 0 : vector<16x8xf32>, vector<2032x8xf32> -> vector<2048x8xf32>
    %add3A_71 = arith.addf %add3A_66, %concatenate3A_70 : vector<2048x8xf32>
    %broadcast_in_dim3A_72 = arith.constant 0.000000e+00 : f32
    %broadcast_in_dim3A_73 = vector.broadcast %broadcast_in_dim3A_72 : f32 to vector<32x8xf32>
    %slice3A_74 = vector.extract_strided_slice %add3A_71 {offsets = [0, 0], sizes = [2016, 8], strides = [1, 1]} : vector<2048x8xf32> to vector<2016x8xf32>
    %concatenate3A_75 = tpu.concatenate %broadcast_in_dim3A_73, %slice3A_74 in 0 : vector<32x8xf32>, vector<2016x8xf32> -> vector<2048x8xf32>
    %add3A_76 = arith.addf %add3A_71, %concatenate3A_75 : vector<2048x8xf32>
    %broadcast_in_dim3A_77 = arith.constant 0.000000e+00 : f32
    %broadcast_in_dim3A_78 = vector.broadcast %broadcast_in_dim3A_77 : f32 to vector<64x8xf32>
    %slice3A_79 = vector.extract_strided_slice %add3A_76 {offsets = [0, 0], sizes = [1984, 8], strides = [1, 1]} : vector<2048x8xf32> to vector<1984x8xf32>
    %concatenate3A_80 = tpu.concatenate %broadcast_in_dim3A_78, %slice3A_79 in 0 : vector<64x8xf32>, vector<1984x8xf32> -> vector<2048x8xf32>
    %add3A_81 = arith.addf %add3A_76, %concatenate3A_80 : vector<2048x8xf32>
    %broadcast_in_dim3A_82 = arith.constant 0.000000e+00 : f32
    %broadcast_in_dim3A_83 = vector.broadcast %broadcast_in_dim3A_82 : f32 to vector<128x8xf32>
    %slice3A_84 = vector.extract_strided_slice %add3A_81 {offsets = [0, 0], sizes = [1920, 8], strides = [1, 1]} : vector<2048x8xf32> to vector<1920x8xf32>
    %concatenate3A_85 = tpu.concatenate %broadcast_in_dim3A_83, %slice3A_84 in 0 : vector<128x8xf32>, vector<1920x8xf32> -> vector<2048x8xf32>
    %add3A_86 = arith.addf %add3A_81, %concatenate3A_85 : vector<2048x8xf32>
    %broadcast_in_dim3A_87 = arith.constant 0.000000e+00 : f32
    %broadcast_in_dim3A_88 = vector.broadcast %broadcast_in_dim3A_87 : f32 to vector<256x8xf32>
    %slice3A_89 = vector.extract_strided_slice %add3A_86 {offsets = [0, 0], sizes = [1792, 8], strides = [1, 1]} : vector<2048x8xf32> to vector<1792x8xf32>
    %concatenate3A_90 = tpu.concatenate %broadcast_in_dim3A_88, %slice3A_89 in 0 : vector<256x8xf32>, vector<1792x8xf32> -> vector<2048x8xf32>
    %add3A_91 = arith.addf %add3A_86, %concatenate3A_90 : vector<2048x8xf32>
    %broadcast_in_dim3A_92 = arith.constant 0.000000e+00 : f32
    %broadcast_in_dim3A_93 = vector.broadcast %broadcast_in_dim3A_92 : f32 to vector<512x8xf32>
    %slice3A_94 = vector.extract_strided_slice %add3A_91 {offsets = [0, 0], sizes = [1536, 8], strides = [1, 1]} : vector<2048x8xf32> to vector<1536x8xf32>
    %concatenate3A_95 = tpu.concatenate %broadcast_in_dim3A_93, %slice3A_94 in 0 : vector<512x8xf32>, vector<1536x8xf32> -> vector<2048x8xf32>
    %add3A_96 = arith.addf %add3A_91, %concatenate3A_95 : vector<2048x8xf32>
    %broadcast_in_dim3A_97 = arith.constant 0.000000e+00 : f32
    %broadcast_in_dim3A_98 = vector.broadcast %broadcast_in_dim3A_97 : f32 to vector<1024x8xf32>
    %slice3A_99 = vector.extract_strided_slice %add3A_96 {offsets = [0, 0], sizes = [1024, 8], strides = [1, 1]} : vector<2048x8xf32> to vector<1024x8xf32>
    %concatenate3A_100 = tpu.concatenate %broadcast_in_dim3A_98, %slice3A_99 in 0 : vector<1024x8xf32>, vector<1024x8xf32> -> vector<2048x8xf32>
    %add3A_101 = arith.addf %add3A_96, %concatenate3A_100 : vector<2048x8xf32>
    %slice3A_102 = vector.extract_strided_slice %add3A_101 {offsets = [2047, 0], sizes = [1, 8], strides = [1, 1]} : vector<2048x8xf32> to vector<1x8xf32>
    %convert_element_type3A = arith.fptosi %slice3A_102 : vector<1x8xf32> to vector<1x8xi32>
    %add3A_103 = arith.constant 512 : i32
    %add3A_104 = vector.broadcast %add3A_103 : i32 to vector<1x8xi32>
    %add3A_105 = arith.addi %convert_element_type3A, %add3A_104 : vector<1x8xi32>
    %sub3A_106 = arith.constant 1 : i32
    %sub3A_107 = vector.broadcast %sub3A_106 : i32 to vector<1x8xi32>
    %sub3A_108 = arith.subi %add3A_105, %sub3A_107 : vector<1x8xi32>
    %shift_right_arithmetic3A = arith.constant 9 : i32
    %shift_right_arithmetic3A_109 = vector.broadcast %shift_right_arithmetic3A : i32 to vector<1x8xi32>
    %shift_right_arithmetic3A_110 = arith.shrsi %sub3A_108, %shift_right_arithmetic3A_109 : vector<1x8xi32>
    %iota3A_111 = tpu.iota {dimensions = array<i32: 1>} : vector<1x8xi32>
    %broadcast_in_dim3A_112 = arith.constant 0 : i32
    %broadcast_in_dim3A_113 = vector.broadcast %broadcast_in_dim3A_112 : i32 to vector<1x8xi32>
    %eq3A_114 = arith.constant 0 : i32
    %eq3A_115 = vector.broadcast %eq3A_114 : i32 to vector<1x8xi32>
    %eq3A_116 = arith.cmpi eq, %iota3A_111, %eq3A_115 : vector<1x8xi32>
    %jit3A_117 = arith.constant 0 : i32
    %broadcast_in_dim3A_118 = vector.broadcast %jit3A_117 : i32 to vector<1x8xi32>
    %select_n3A_119 = arith.select %eq3A_116, %broadcast_in_dim3A_118, %broadcast_in_dim3A_113 : vector<1x8xi1>, vector<1x8xi32>
    %slice3A_120 = vector.extract_strided_slice %shift_right_arithmetic3A_110 {offsets = [0, 0], sizes = [1, 1], strides = [1, 1]} : vector<1x8xi32> to vector<1x1xi32>
    %squeeze3A = vector.extract %slice3A_120[0, 0] : i32 from vector<1x1xi32>
    %add3A_121 = arith.constant 0 : i32
    %add3A_122 = arith.addi %add3A_121, %squeeze3A : i32
    %eq3A_123 = arith.constant 1 : i32
    %eq3A_124 = vector.broadcast %eq3A_123 : i32 to vector<1x8xi32>
    %eq3A_125 = arith.cmpi eq, %iota3A_111, %eq3A_124 : vector<1x8xi32>
    %broadcast_in_dim3A_126 = vector.broadcast %add3A_122 : i32 to vector<1x8xi32>
    %select_n3A_127 = arith.select %eq3A_125, %broadcast_in_dim3A_126, %select_n3A_119 : vector<1x8xi1>, vector<1x8xi32>
    %slice3A_128 = vector.extract_strided_slice %shift_right_arithmetic3A_110 {offsets = [0, 1], sizes = [1, 1], strides = [1, 1]} : vector<1x8xi32> to vector<1x1xi32>
    %squeeze3A_129 = vector.extract %slice3A_128[0, 0] : i32 from vector<1x1xi32>
    %add3A_130 = arith.addi %add3A_122, %squeeze3A_129 : i32
    %eq3A_131 = arith.constant 2 : i32
    %eq3A_132 = vector.broadcast %eq3A_131 : i32 to vector<1x8xi32>
    %eq3A_133 = arith.cmpi eq, %iota3A_111, %eq3A_132 : vector<1x8xi32>
    %broadcast_in_dim3A_134 = vector.broadcast %add3A_130 : i32 to vector<1x8xi32>
    %select_n3A_135 = arith.select %eq3A_133, %broadcast_in_dim3A_134, %select_n3A_127 : vector<1x8xi1>, vector<1x8xi32>
    %slice3A_136 = vector.extract_strided_slice %shift_right_arithmetic3A_110 {offsets = [0, 2], sizes = [1, 1], strides = [1, 1]} : vector<1x8xi32> to vector<1x1xi32>
    %squeeze3A_137 = vector.extract %slice3A_136[0, 0] : i32 from vector<1x1xi32>
    %add3A_138 = arith.addi %add3A_130, %squeeze3A_137 : i32
    %eq3A_139 = arith.constant 3 : i32
    %eq3A_140 = vector.broadcast %eq3A_139 : i32 to vector<1x8xi32>
    %eq3A_141 = arith.cmpi eq, %iota3A_111, %eq3A_140 : vector<1x8xi32>
    %broadcast_in_dim3A_142 = vector.broadcast %add3A_138 : i32 to vector<1x8xi32>
    %select_n3A_143 = arith.select %eq3A_141, %broadcast_in_dim3A_142, %select_n3A_135 : vector<1x8xi1>, vector<1x8xi32>
    %slice3A_144 = vector.extract_strided_slice %shift_right_arithmetic3A_110 {offsets = [0, 3], sizes = [1, 1], strides = [1, 1]} : vector<1x8xi32> to vector<1x1xi32>
    %squeeze3A_145 = vector.extract %slice3A_144[0, 0] : i32 from vector<1x1xi32>
    %add3A_146 = arith.addi %add3A_138, %squeeze3A_145 : i32
    %eq3A_147 = arith.constant 4 : i32
    %eq3A_148 = vector.broadcast %eq3A_147 : i32 to vector<1x8xi32>
    %eq3A_149 = arith.cmpi eq, %iota3A_111, %eq3A_148 : vector<1x8xi32>
    %broadcast_in_dim3A_150 = vector.broadcast %add3A_146 : i32 to vector<1x8xi32>
    %select_n3A_151 = arith.select %eq3A_149, %broadcast_in_dim3A_150, %select_n3A_143 : vector<1x8xi1>, vector<1x8xi32>
    %slice3A_152 = vector.extract_strided_slice %shift_right_arithmetic3A_110 {offsets = [0, 4], sizes = [1, 1], strides = [1, 1]} : vector<1x8xi32> to vector<1x1xi32>
    %squeeze3A_153 = vector.extract %slice3A_152[0, 0] : i32 from vector<1x1xi32>
    %add3A_154 = arith.addi %add3A_146, %squeeze3A_153 : i32
    %eq3A_155 = arith.constant 5 : i32
    %eq3A_156 = vector.broadcast %eq3A_155 : i32 to vector<1x8xi32>
    %eq3A_157 = arith.cmpi eq, %iota3A_111, %eq3A_156 : vector<1x8xi32>
    %broadcast_in_dim3A_158 = vector.broadcast %add3A_154 : i32 to vector<1x8xi32>
    %select_n3A_159 = arith.select %eq3A_157, %broadcast_in_dim3A_158, %select_n3A_151 : vector<1x8xi1>, vector<1x8xi32>
    %slice3A_160 = vector.extract_strided_slice %shift_right_arithmetic3A_110 {offsets = [0, 5], sizes = [1, 1], strides = [1, 1]} : vector<1x8xi32> to vector<1x1xi32>
    %squeeze3A_161 = vector.extract %slice3A_160[0, 0] : i32 from vector<1x1xi32>
    %add3A_162 = arith.addi %add3A_154, %squeeze3A_161 : i32
    %eq3A_163 = arith.constant 6 : i32
    %eq3A_164 = vector.broadcast %eq3A_163 : i32 to vector<1x8xi32>
    %eq3A_165 = arith.cmpi eq, %iota3A_111, %eq3A_164 : vector<1x8xi32>
    %broadcast_in_dim3A_166 = vector.broadcast %add3A_162 : i32 to vector<1x8xi32>
    %select_n3A_167 = arith.select %eq3A_165, %broadcast_in_dim3A_166, %select_n3A_159 : vector<1x8xi1>, vector<1x8xi32>
    %slice3A_168 = vector.extract_strided_slice %shift_right_arithmetic3A_110 {offsets = [0, 6], sizes = [1, 1], strides = [1, 1]} : vector<1x8xi32> to vector<1x1xi32>
    %squeeze3A_169 = vector.extract %slice3A_168[0, 0] : i32 from vector<1x1xi32>
    %add3A_170 = arith.addi %add3A_162, %squeeze3A_169 : i32
    %eq3A_171 = arith.constant 7 : i32
    %eq3A_172 = vector.broadcast %eq3A_171 : i32 to vector<1x8xi32>
    %eq3A_173 = arith.cmpi eq, %iota3A_111, %eq3A_172 : vector<1x8xi32>
    %broadcast_in_dim3A_174 = vector.broadcast %add3A_170 : i32 to vector<1x8xi32>
    %select_n3A_175 = arith.select %eq3A_173, %broadcast_in_dim3A_174, %select_n3A_167 : vector<1x8xi1>, vector<1x8xi32>
    %slice3A_176 = vector.extract_strided_slice %shift_right_arithmetic3A_110 {offsets = [0, 7], sizes = [1, 1], strides = [1, 1]} : vector<1x8xi32> to vector<1x1xi32>
    %squeeze3A_177 = vector.extract %slice3A_176[0, 0] : i32 from vector<1x1xi32>
    %add3A_178 = arith.addi %add3A_170, %squeeze3A_177 : i32
    %shift_left3A = arith.constant 9 : i32
    %shift_left3A_179 = vector.broadcast %shift_left3A : i32 to vector<1x8xi32>
    %shift_left3A_180 = arith.shli %select_n3A_175, %shift_left3A_179 : vector<1x8xi32>
    %convert_element_type3A_181 = arith.sitofp %shift_left3A_180 : vector<1x8xi32> to vector<1x8xf32>
    %add3A_182 = vector.broadcast %convert_element_type3A_181 : vector<1x8xf32> to vector<2048x8xf32>
    %add3A_183 = arith.addf %add3A_182, %add3A_101 : vector<2048x8xf32>
    %sub3A_184 = arith.constant 1.000000e+00 : f32
    %sub3A_185 = vector.broadcast %sub3A_184 : f32 to vector<2048x8xf32>
    %sub3A_186 = arith.subf %add3A_183, %sub3A_185 : vector<2048x8xf32>
    %jit3A_187 = arith.constant 0.000000e+00 : f32
    %broadcast_in_dim3A_188 = vector.broadcast %jit3A_187 : f32 to vector<2048x8xf32>
    %select_n3A_189 = arith.select %eq3A_19, %sub3A_186, %broadcast_in_dim3A_188 : vector<2048x8xi1>, vector<2048x8xf32>
    %reduce_sum3A_190 = arith.constant dense<0.000000e+00> : vector<2048xf32>
    %reduce_sum3A_191 = vector.multi_reduction <add>, %select_n3A_189, %reduce_sum3A_190 [1] : vector<2048x8xf32> to vector<2048xf32>
    %broadcast_in_dim3A_192 = vector.shape_cast %reduce_sum3A_191 : vector<2048xf32> to vector<2048x1xf32>
    %convert_element_type3A_193 = arith.fptosi %broadcast_in_dim3A_192 : vector<2048x1xf32> to vector<2048x1xi32>
    %jit3A_194 = arith.constant 0.000000e+00 : f32
    %broadcast_in_dim3A_195 = vector.broadcast %jit3A_194 : f32 to vector<2048x8xf32>
    %select_n3A_196 = arith.select %eq3A_35, %sub3A_186, %broadcast_in_dim3A_195 : vector<2048x8xi1>, vector<2048x8xf32>
    %reduce_sum3A_197 = arith.constant dense<0.000000e+00> : vector<2048xf32>
    %reduce_sum3A_198 = vector.multi_reduction <add>, %select_n3A_196, %reduce_sum3A_197 [1] : vector<2048x8xf32> to vector<2048xf32>
    %broadcast_in_dim3A_199 = vector.shape_cast %reduce_sum3A_198 : vector<2048xf32> to vector<2048x1xf32>
    %convert_element_type3A_200 = arith.fptosi %broadcast_in_dim3A_199 : vector<2048x1xf32> to vector<2048x1xi32>
    %transpose3A = tpu.transpose %convert_element_type3A_193, [1, 0] : vector<2048x1xi32> -> vector<1x2048xi32>
    %transpose3A_201 = tpu.transpose %convert_element_type3A_200, [1, 0] : vector<2048x1xi32> -> vector<1x2048xi32>
    %concatenate3A_202 = tpu.concatenate %transpose3A, %transpose3A_201 in 0 : vector<1x2048xi32>, vector<1x2048xi32> -> vector<2x2048xi32>
    %swap3A = arith.constant 0 : index
    %swap3A_203 = arith.constant 0 : index
    %swap3A_204 = vector.load %arg2[%swap3A, %swap3A_203] : memref<2x2048xi32, #tpu.memory_space<vmem>>, vector<2x2048xi32>
    tpu.vector_store %arg2[%swap3A, %swap3A_203], %concatenate3A_202 {strides = array<i32>} : memref<2x2048xi32, #tpu.memory_space<vmem>>, vector<2x2048xi32>,
    %broadcast_in_dim3A_205 = vector.shape_cast %div3A_36 : vector<2048x1xf32> to vector<2048x1xf32>
    %broadcast_in_dim3A_206 = vector.broadcast %broadcast_in_dim3A_205 : vector<2048x1xf32> to vector<2048x128xf32>
    %broadcast_in_dim3A_207 = vector.shape_cast %div3A_37 : vector<2048x1xf32> to vector<2048x1xf32>
    %broadcast_in_dim3A_208 = vector.broadcast %broadcast_in_dim3A_207 : vector<2048x1xf32> to vector<2048x128xf32>
    %concatenate3A_209 = tpu.concatenate %broadcast_in_dim3A_206, %broadcast_in_dim3A_208 in 0 : vector<2048x128xf32>, vector<2048x128xf32> -> vector<4096x128xf32>
    %swap3A_210 = arith.constant 0 : index
    %swap3A_211 = arith.constant 0 : index
    %swap3A_212 = vector.load %arg3[%swap3A_210, %swap3A_211] : memref<4096x128xf32, #tpu.memory_space<vmem>>, vector<4096x128xf32>
    tpu.vector_store %arg3[%swap3A_210, %swap3A_211], %concatenate3A_209 {strides = array<i32>} : memref<4096x128xf32, #tpu.memory_space<vmem>>, vector<4096x128xf32>,
    %iota3A_213 = tpu.iota {dimensions = array<i32: 1>} : vector<1x16xi32>
    %sub3A_214 = arith.constant 1 : i32
    %sub3A_215 = arith.subi %add3A_178, %sub3A_214 : i32
    %min3A = vector.broadcast %sub3A_215 : i32 to vector<1x16xi32>
    %min3A_216 = arith.minsi %iota3A_213, %min3A : vector<1x16xi32>
    %broadcast_in_dim3A_217 = arith.constant 0 : i32
    %broadcast_in_dim3A_218 = vector.broadcast %broadcast_in_dim3A_217 : i32 to vector<1x16xi32>
    %slice3A_219 = vector.extract_strided_slice %select_n3A_175 {offsets = [0, 0], sizes = [1, 1], strides = [1, 1]} : vector<1x8xi32> to vector<1x1xi32>
    %squeeze3A_220 = vector.extract %slice3A_219[0, 0] : i32 from vector<1x1xi32>
    %le3A = vector.broadcast %squeeze3A_220 : i32 to vector<1x16xi32>
    %le3A_221 = arith.cmpi sle, %le3A, %min3A_216 : vector<1x16xi32>
    %jit3A_222 = arith.constant 1 : i32
    %jit3A_223 = arith.constant 0 : i32
    %broadcast_in_dim3A_224 = vector.broadcast %jit3A_222 : i32 to vector<1x16xi32>
    %broadcast_in_dim3A_225 = vector.broadcast %jit3A_223 : i32 to vector<1x16xi32>
    %select_n3A_226 = arith.select %le3A_221, %broadcast_in_dim3A_224, %broadcast_in_dim3A_225 : vector<1x16xi1>, vector<1x16xi32>
    %add3A_227 = arith.addi %broadcast_in_dim3A_218, %select_n3A_226 : vector<1x16xi32>
    %slice3A_228 = vector.extract_strided_slice %select_n3A_175 {offsets = [0, 1], sizes = [1, 1], strides = [1, 1]} : vector<1x8xi32> to vector<1x1xi32>
    %squeeze3A_229 = vector.extract %slice3A_228[0, 0] : i32 from vector<1x1xi32>
    %le3A_230 = vector.broadcast %squeeze3A_229 : i32 to vector<1x16xi32>
    %le3A_231 = arith.cmpi sle, %le3A_230, %min3A_216 : vector<1x16xi32>
    %jit3A_232 = arith.constant 1 : i32
    %jit3A_233 = arith.constant 0 : i32
    %broadcast_in_dim3A_234 = vector.broadcast %jit3A_232 : i32 to vector<1x16xi32>
    %broadcast_in_dim3A_235 = vector.broadcast %jit3A_233 : i32 to vector<1x16xi32>
    %select_n3A_236 = arith.select %le3A_231, %broadcast_in_dim3A_234, %broadcast_in_dim3A_235 : vector<1x16xi1>, vector<1x16xi32>
    %add3A_237 = arith.addi %add3A_227, %select_n3A_236 : vector<1x16xi32>
    %slice3A_238 = vector.extract_strided_slice %select_n3A_175 {offsets = [0, 2], sizes = [1, 1], strides = [1, 1]} : vector<1x8xi32> to vector<1x1xi32>
    %squeeze3A_239 = vector.extract %slice3A_238[0, 0] : i32 from vector<1x1xi32>
    %le3A_240 = vector.broadcast %squeeze3A_239 : i32 to vector<1x16xi32>
    %le3A_241 = arith.cmpi sle, %le3A_240, %min3A_216 : vector<1x16xi32>
    %jit3A_242 = arith.constant 1 : i32
    %jit3A_243 = arith.constant 0 : i32
    %broadcast_in_dim3A_244 = vector.broadcast %jit3A_242 : i32 to vector<1x16xi32>
    %broadcast_in_dim3A_245 = vector.broadcast %jit3A_243 : i32 to vector<1x16xi32>
    %select_n3A_246 = arith.select %le3A_241, %broadcast_in_dim3A_244, %broadcast_in_dim3A_245 : vector<1x16xi1>, vector<1x16xi32>
    %add3A_247 = arith.addi %add3A_237, %select_n3A_246 : vector<1x16xi32>
    %slice3A_248 = vector.extract_strided_slice %select_n3A_175 {offsets = [0, 3], sizes = [1, 1], strides = [1, 1]} : vector<1x8xi32> to vector<1x1xi32>
    %squeeze3A_249 = vector.extract %slice3A_248[0, 0] : i32 from vector<1x1xi32>
    %le3A_250 = vector.broadcast %squeeze3A_249 : i32 to vector<1x16xi32>
    %le3A_251 = arith.cmpi sle, %le3A_250, %min3A_216 : vector<1x16xi32>
    %jit3A_252 = arith.constant 1 : i32
    %jit3A_253 = arith.constant 0 : i32
    %broadcast_in_dim3A_254 = vector.broadcast %jit3A_252 : i32 to vector<1x16xi32>
    %broadcast_in_dim3A_255 = vector.broadcast %jit3A_253 : i32 to vector<1x16xi32>
    %select_n3A_256 = arith.select %le3A_251, %broadcast_in_dim3A_254, %broadcast_in_dim3A_255 : vector<1x16xi1>, vector<1x16xi32>
    %add3A_257 = arith.addi %add3A_247, %select_n3A_256 : vector<1x16xi32>
    %slice3A_258 = vector.extract_strided_slice %select_n3A_175 {offsets = [0, 4], sizes = [1, 1], strides = [1, 1]} : vector<1x8xi32> to vector<1x1xi32>
    %squeeze3A_259 = vector.extract %slice3A_258[0, 0] : i32 from vector<1x1xi32>
    %le3A_260 = vector.broadcast %squeeze3A_259 : i32 to vector<1x16xi32>
    %le3A_261 = arith.cmpi sle, %le3A_260, %min3A_216 : vector<1x16xi32>
    %jit3A_262 = arith.constant 1 : i32
    %jit3A_263 = arith.constant 0 : i32
    %broadcast_in_dim3A_264 = vector.broadcast %jit3A_262 : i32 to vector<1x16xi32>
    %broadcast_in_dim3A_265 = vector.broadcast %jit3A_263 : i32 to vector<1x16xi32>
    %select_n3A_266 = arith.select %le3A_261, %broadcast_in_dim3A_264, %broadcast_in_dim3A_265 : vector<1x16xi1>, vector<1x16xi32>
    %add3A_267 = arith.addi %add3A_257, %select_n3A_266 : vector<1x16xi32>
    %slice3A_268 = vector.extract_strided_slice %select_n3A_175 {offsets = [0, 5], sizes = [1, 1], strides = [1, 1]} : vector<1x8xi32> to vector<1x1xi32>
    %squeeze3A_269 = vector.extract %slice3A_268[0, 0] : i32 from vector<1x1xi32>
    %le3A_270 = vector.broadcast %squeeze3A_269 : i32 to vector<1x16xi32>
    %le3A_271 = arith.cmpi sle, %le3A_270, %min3A_216 : vector<1x16xi32>
    %jit3A_272 = arith.constant 1 : i32
    %jit3A_273 = arith.constant 0 : i32
    %broadcast_in_dim3A_274 = vector.broadcast %jit3A_272 : i32 to vector<1x16xi32>
    %broadcast_in_dim3A_275 = vector.broadcast %jit3A_273 : i32 to vector<1x16xi32>
    %select_n3A_276 = arith.select %le3A_271, %broadcast_in_dim3A_274, %broadcast_in_dim3A_275 : vector<1x16xi1>, vector<1x16xi32>
    %add3A_277 = arith.addi %add3A_267, %select_n3A_276 : vector<1x16xi32>
    %slice3A_278 = vector.extract_strided_slice %select_n3A_175 {offsets = [0, 6], sizes = [1, 1], strides = [1, 1]} : vector<1x8xi32> to vector<1x1xi32>
    %squeeze3A_279 = vector.extract %slice3A_278[0, 0] : i32 from vector<1x1xi32>
    %le3A_280 = vector.broadcast %squeeze3A_279 : i32 to vector<1x16xi32>
    %le3A_281 = arith.cmpi sle, %le3A_280, %min3A_216 : vector<1x16xi32>
    %jit3A_282 = arith.constant 1 : i32
    %jit3A_283 = arith.constant 0 : i32
    %broadcast_in_dim3A_284 = vector.broadcast %jit3A_282 : i32 to vector<1x16xi32>
    %broadcast_in_dim3A_285 = vector.broadcast %jit3A_283 : i32 to vector<1x16xi32>
    %select_n3A_286 = arith.select %le3A_281, %broadcast_in_dim3A_284, %broadcast_in_dim3A_285 : vector<1x16xi1>, vector<1x16xi32>
    %add3A_287 = arith.addi %add3A_277, %select_n3A_286 : vector<1x16xi32>
    %slice3A_288 = vector.extract_strided_slice %select_n3A_175 {offsets = [0, 7], sizes = [1, 1], strides = [1, 1]} : vector<1x8xi32> to vector<1x1xi32>
    %squeeze3A_289 = vector.extract %slice3A_288[0, 0] : i32 from vector<1x1xi32>
    %le3A_290 = vector.broadcast %squeeze3A_289 : i32 to vector<1x16xi32>
    %le3A_291 = arith.cmpi sle, %le3A_290, %min3A_216 : vector<1x16xi32>
    %jit3A_292 = arith.constant 1 : i32
    %jit3A_293 = arith.constant 0 : i32
    %broadcast_in_dim3A_294 = vector.broadcast %jit3A_292 : i32 to vector<1x16xi32>
    %broadcast_in_dim3A_295 = vector.broadcast %jit3A_293 : i32 to vector<1x16xi32>
    %select_n3A_296 = arith.select %le3A_291, %broadcast_in_dim3A_294, %broadcast_in_dim3A_295 : vector<1x16xi1>, vector<1x16xi32>
    %add3A_297 = arith.addi %add3A_287, %select_n3A_296 : vector<1x16xi32>
    %sub3A_298 = arith.constant 1 : i32
    %sub3A_299 = vector.broadcast %sub3A_298 : i32 to vector<1x16xi32>
    %sub3A_300 = arith.subi %add3A_297, %sub3A_299 : vector<1x16xi32>
    %eq3A_301 = arith.constant 15 : i32
    %eq3A_302 = vector.broadcast %eq3A_301 : i32 to vector<1x16xi32>
    %eq3A_303 = arith.cmpi eq, %iota3A_213, %eq3A_302 : vector<1x16xi32>
    %broadcast_in_dim3A_304 = vector.broadcast %add3A_178 : i32 to vector<1x16xi32>
    %select_n3A_305 = arith.select %eq3A_303, %broadcast_in_dim3A_304, %sub3A_300 : vector<1x16xi1>, vector<1x16xi32>
    %swap3A_306 = arith.constant 0 : index
    %swap3A_307 = arith.constant 0 : index
    %swap3A_308 = vector.load %arg4[%swap3A_306, %swap3A_307] : memref<1x16xi32, #tpu.memory_space<vmem>>, vector<1x16xi32>
    tpu.vector_store %arg4[%swap3A_306, %swap3A_307], %select_n3A_305 {strides = array<i32>} : memref<1x16xi32, #tpu.memory_space<vmem>>, vector<1x16xi32>,
    return
  }
}

module attributes {stable_mosaic.version = 14 : i64} {
  func.func @_gemm_kernel(%arg0: i32, %arg1: memref<16xi32, #tpu.memory_space<smem>>, %arg2: memref<512x128xf32, #tpu.memory_space<vmem>>, %arg3: memref<512x1024xf32, #tpu.memory_space<vmem>>, %arg4: memref<1x2048x1024xbf16, #tpu.memory_space<vmem>>, %arg5: memref<1x1x2048xf32, #tpu.memory_space<vmem>>, %arg6: memref<1x1024x2048xbf16, #tpu.memory_space<vmem>>, %arg7: memref<1x1x1024xf32, #tpu.memory_space<vmem>>, %arg8: memref<512x1024xf32, #tpu.memory_space<vmem>>) attributes {dimension_semantics = [#tpu.dimension_semantics<parallel>], iteration_bounds = array<i64: 15>, scalar_prefetch = 1 : i64, scratch_operands = 0 : i64, tpu.core_type = #tpu.core_type<tc>, window_params = [{transform_indices = @transform_0, window_bounds = array<i64: 512, 128>}, {transform_indices = @transform_1, window_bounds = array<i64: 512, 1024>}, {transform_indices = @transform_2, window_bounds = array<i64: 1, 2048, 1024>}, {transform_indices = @transform_3, window_bounds = array<i64: 1, 1, 2048>}, {transform_indices = @transform_4, window_bounds = array<i64: 1, 1024, 2048>}, {transform_indices = @transform_5, window_bounds = array<i64: 1, 1, 1024>}, {transform_indices = @transform_6, window_bounds = array<i64: 512, 1024>}]} {
    %get3A = arith.constant 15 : index
    %get3A_0 = memref.load %arg1[%get3A] : memref<16xi32, #tpu.memory_space<smem>>
    %lt3A = arith.cmpi slt, %arg0, %get3A_0 : i32
    %convert_element_type3A = arith.extui %lt3A : i1 to i32
    %cond3A = arith.constant 0 : i32
    %cond3A_1 = arith.cmpi ne, %convert_element_type3A, %cond3A : i32
    scf.if %cond3A_1 {
      %get3A_5 = arith.constant 0 : index
      %get3A_6 = arith.constant 0 : index
      %get3A_7 = vector.load %arg2[%get3A_5, %get3A_6] : memref<512x128xf32, #tpu.memory_space<vmem>>, vector<512x1xf32>
      %get3A_8 = arith.constant 0 : index
      %get3A_9 = arith.constant 0 : index
      %get3A_10 = vector.load %arg3[%get3A_8, %get3A_9] : memref<512x1024xf32, #tpu.memory_space<vmem>>, vector<512x1024xf32>
      %convert_element_type3A_11 = arith.truncf %get3A_10 : vector<512x1024xf32> to vector<512x1024xbf16>
      %get3A_12 = arith.constant 0 : index
      %get3A_13 = arith.constant 0 : index
      %get3A_14 = arith.constant 0 : index
      %get3A_15 = vector.load %arg4[%get3A_12, %get3A_13, %get3A_14] : memref<1x2048x1024xbf16, #tpu.memory_space<vmem>>, vector<1x2048x1024xbf16>
      %get3A_16 = vector.shape_cast %get3A_15 : vector<1x2048x1024xbf16> to vector<2048x1024xbf16>
      %dot_general3A = arith.constant dense<0.000000e+00> : vector<512x2048xf32>
      %dot_general3A_17 = tpu.matmul %convert_element_type3A_11, %get3A_16, %dot_general3A {dimension_numbers = #tpu.dot_dimension_numbers<[1], [1], [0], [0], [0, 0, 1, 0], [], []>, transpose_lhs_hint = false} : vector<512x1024xbf16>, vector<2048x1024xbf16>, vector<512x2048xf32> -> vector<512x2048xf32>
      %get3A_18 = arith.constant 0 : index
      %get3A_19 = arith.constant 0 : index
      %get3A_20 = arith.constant 0 : index
      %get3A_21 = vector.load %arg5[%get3A_18, %get3A_19, %get3A_20] : memref<1x1x2048xf32, #tpu.memory_space<vmem>>, vector<1x1x2048xf32>
      %get3A_22 = vector.shape_cast %get3A_21 : vector<1x1x2048xf32> to vector<1x2048xf32>
      %add3A = vector.broadcast %get3A_22 : vector<1x2048xf32> to vector<512x2048xf32>
      %add3A_23 = arith.addf %dot_general3A_17, %add3A : vector<512x2048xf32>
      %logistic3A = arith.negf %add3A_23 : vector<512x2048xf32>
      %logistic3A_24 = math.exp %logistic3A : vector<512x2048xf32>
      %logistic3A_25 = arith.constant 1.000000e+00 : f32
      %logistic3A_26 = vector.broadcast %logistic3A_25 : f32 to vector<512x2048xf32>
      %logistic3A_27 = arith.addf %logistic3A_26, %logistic3A_24 : vector<512x2048xf32>
      %logistic3A_28 = arith.divf %logistic3A_26, %logistic3A_27 : vector<512x2048xf32>
      %mul3A = arith.mulf %add3A_23, %logistic3A_28 : vector<512x2048xf32>
      %convert_element_type3A_29 = arith.truncf %mul3A : vector<512x2048xf32> to vector<512x2048xbf16>
      %get3A_30 = arith.constant 0 : index
      %get3A_31 = arith.constant 0 : index
      %get3A_32 = arith.constant 0 : index
      %get3A_33 = vector.load %arg6[%get3A_30, %get3A_31, %get3A_32] : memref<1x1024x2048xbf16, #tpu.memory_space<vmem>>, vector<1x1024x2048xbf16>
      %get3A_34 = vector.shape_cast %get3A_33 : vector<1x1024x2048xbf16> to vector<1024x2048xbf16>
      %dot_general3A_35 = arith.constant dense<0.000000e+00> : vector<512x1024xf32>
      %dot_general3A_36 = tpu.matmul %convert_element_type3A_29, %get3A_34, %dot_general3A_35 {dimension_numbers = #tpu.dot_dimension_numbers<[1], [1], [0], [0], [0, 0, 1, 0], [], []>, transpose_lhs_hint = false} : vector<512x2048xbf16>, vector<1024x2048xbf16>, vector<512x1024xf32> -> vector<512x1024xf32>
      %get3A_37 = arith.constant 0 : index
      %get3A_38 = arith.constant 0 : index
      %get3A_39 = arith.constant 0 : index
      %get3A_40 = vector.load %arg7[%get3A_37, %get3A_38, %get3A_39] : memref<1x1x1024xf32, #tpu.memory_space<vmem>>, vector<1x1x1024xf32>
      %get3A_41 = vector.shape_cast %get3A_40 : vector<1x1x1024xf32> to vector<1x1024xf32>
      %add3A_42 = vector.broadcast %get3A_41 : vector<1x1024xf32> to vector<512x1024xf32>
      %add3A_43 = arith.addf %dot_general3A_36, %add3A_42 : vector<512x1024xf32>
      %mul3A_44 = vector.broadcast %get3A_7 : vector<512x1xf32> to vector<512x1024xf32>
      %mul3A_45 = arith.mulf %add3A_43, %mul3A_44 : vector<512x1024xf32>
      %swap3A = arith.constant 0 : index
      %swap3A_46 = arith.constant 0 : index
      %swap3A_47 = vector.load %arg8[%swap3A, %swap3A_46] : memref<512x1024xf32, #tpu.memory_space<vmem>>, vector<512x1024xf32>
      tpu.vector_store %arg8[%swap3A, %swap3A_46], %mul3A_45 {strides = array<i32>} : memref<512x1024xf32, #tpu.memory_space<vmem>>, vector<512x1024xf32>,
    } else {
    }
    %ge3A = arith.cmpi sge, %arg0, %get3A_0 : i32
    %convert_element_type3A_2 = arith.extui %ge3A : i1 to i32
    %cond3A_3 = arith.constant 0 : i32
    %cond3A_4 = arith.cmpi ne, %convert_element_type3A_2, %cond3A_3 : i32
    scf.if %cond3A_4 {
      %broadcast_in_dim3A = arith.constant 0.000000e+00 : f32
      %broadcast_in_dim3A_5 = vector.broadcast %broadcast_in_dim3A : f32 to vector<512x1024xf32>
      %swap3A = arith.constant 0 : index
      %swap3A_6 = arith.constant 0 : index
      %swap3A_7 = vector.load %arg8[%swap3A, %swap3A_6] : memref<512x1024xf32, #tpu.memory_space<vmem>>, vector<512x1024xf32>
      tpu.vector_store %arg8[%swap3A, %swap3A_6], %broadcast_in_dim3A_5 {strides = array<i32>} : memref<512x1024xf32, #tpu.memory_space<vmem>>, vector<512x1024xf32>,
    } else {
    }
    return
  }
  func.func @transform_0(%arg0: i32, %arg1: memref<16xi32, #tpu.memory_space<smem>>) -> (i32, i32) {
    %c0_i32 = arith.constant 0 : i32
    %c0_i32_0 = arith.constant 0 : i32
    return %arg0, %c0_i32 : i32, i32
  }
  func.func @transform_1(%arg0: i32, %arg1: memref<16xi32, #tpu.memory_space<smem>>) -> (i32, i32) {
    %c0_i32 = arith.constant 0 : i32
    %c0_i32_0 = arith.constant 0 : i32
    return %arg0, %c0_i32 : i32, i32
  }
  func.func @transform_2(%arg0: i32, %arg1: memref<16xi32, #tpu.memory_space<smem>>) -> (i32, i32, i32) {
    %get3A = arith.index_cast %arg0 : i32 to index
    %get3A_0 = memref.load %arg1[%get3A] : memref<16xi32, #tpu.memory_space<smem>>
    %c0_i32 = arith.constant 0 : i32
    %c0_i32_1 = arith.constant 0 : i32
    %c0_i32_2 = arith.constant 0 : i32
    return %get3A_0, %c0_i32, %c0_i32_1 : i32, i32, i32
  }
  func.func @transform_3(%arg0: i32, %arg1: memref<16xi32, #tpu.memory_space<smem>>) -> (i32, i32, i32) {
    %get3A = arith.index_cast %arg0 : i32 to index
    %get3A_0 = memref.load %arg1[%get3A] : memref<16xi32, #tpu.memory_space<smem>>
    %c0_i32 = arith.constant 0 : i32
    %c0_i32_1 = arith.constant 0 : i32
    %c0_i32_2 = arith.constant 0 : i32
    return %get3A_0, %c0_i32, %c0_i32_1 : i32, i32, i32
  }
  func.func @transform_4(%arg0: i32, %arg1: memref<16xi32, #tpu.memory_space<smem>>) -> (i32, i32, i32) {
    %get3A = arith.index_cast %arg0 : i32 to index
    %get3A_0 = memref.load %arg1[%get3A] : memref<16xi32, #tpu.memory_space<smem>>
    %c0_i32 = arith.constant 0 : i32
    %c0_i32_1 = arith.constant 0 : i32
    %c0_i32_2 = arith.constant 0 : i32
    return %get3A_0, %c0_i32, %c0_i32_1 : i32, i32, i32
  }
  func.func @transform_5(%arg0: i32, %arg1: memref<16xi32, #tpu.memory_space<smem>>) -> (i32, i32, i32) {
    %get3A = arith.index_cast %arg0 : i32 to index
    %get3A_0 = memref.load %arg1[%get3A] : memref<16xi32, #tpu.memory_space<smem>>
    %c0_i32 = arith.constant 0 : i32
    %c0_i32_1 = arith.constant 0 : i32
    %c0_i32_2 = arith.constant 0 : i32
    return %get3A_0, %c0_i32, %c0_i32_1 : i32, i32, i32
  }
  func.func @transform_6(%arg0: i32, %arg1: memref<16xi32, #tpu.memory_space<smem>>) -> (i32, i32) {
    %c0_i32 = arith.constant 0 : i32
    %c0_i32_0 = arith.constant 0 : i32
    return %arg0, %c0_i32 : i32, i32
  }
}

module attributes {stable_mosaic.version = 14 : i64} {
  func.func @_add_kernel(%arg0: i32, %arg1: memref<1024x1024xf32, #tpu.memory_space<vmem>>, %arg2: memref<1024x1024xf32, #tpu.memory_space<vmem>>, %arg3: memref<1024x1024xf32, #tpu.memory_space<vmem>>) attributes {dimension_semantics = [#tpu.dimension_semantics<parallel>], iteration_bounds = array<i64: 2>, scalar_prefetch = 0 : i64, scratch_operands = 0 : i64, tpu.core_type = #tpu.core_type<tc>, window_params = [{transform_indices = @transform_0, window_bounds = array<i64: 1024, 1024>}, {transform_indices = @transform_1, window_bounds = array<i64: 1024, 1024>}, {transform_indices = @transform_2, window_bounds = array<i64: 1024, 1024>}]} {
    %get3A = arith.constant 0 : index
    %get3A_0 = arith.constant 0 : index
    %get3A_1 = vector.load %arg1[%get3A, %get3A_0] : memref<1024x1024xf32, #tpu.memory_space<vmem>>, vector<1024x1024xf32>
    %get3A_2 = arith.constant 0 : index
    %get3A_3 = arith.constant 0 : index
    %get3A_4 = vector.load %arg2[%get3A_2, %get3A_3] : memref<1024x1024xf32, #tpu.memory_space<vmem>>, vector<1024x1024xf32>
    %add3A = arith.addf %get3A_1, %get3A_4 : vector<1024x1024xf32>
    %swap3A = arith.constant 0 : index
    %swap3A_5 = arith.constant 0 : index
    %swap3A_6 = vector.load %arg3[%swap3A, %swap3A_5] : memref<1024x1024xf32, #tpu.memory_space<vmem>>, vector<1024x1024xf32>
    tpu.vector_store %arg3[%swap3A, %swap3A_5], %add3A {strides = array<i32>} : memref<1024x1024xf32, #tpu.memory_space<vmem>>, vector<1024x1024xf32>,
    return
  }
  func.func @transform_0(%arg0: i32) -> (i32, i32) {
    %c0_i32 = arith.constant 0 : i32
    %c0_i32_0 = arith.constant 0 : i32
    return %arg0, %c0_i32 : i32, i32
  }
  func.func @transform_1(%arg0: i32) -> (i32, i32) {
    %add3A = arith.constant 2 : i32
    %add3A_0 = arith.addi %arg0, %add3A : i32
    %c0_i32 = arith.constant 0 : i32
    %c0_i32_1 = arith.constant 0 : i32
    return %add3A_0, %c0_i32 : i32, i32
  }
  func.func @transform_2(%arg0: i32) -> (i32, i32) {
    %c0_i32 = arith.constant 0 : i32
    %c0_i32_0 = arith.constant 0 : i32
    return %arg0, %c0_i32 : i32, i32
  }
}

</mosaic_0001>

<sc_bundles>
// kernel: kernel.10.cloned.1.call-start
scs
__scs_entry_jumppad:
0x0: {  	(pc) =	sbr.rel $0x88, $3  }
0x1: {  	(tag) =	ssettag $0x0;
	lr =	simm.s32 $0x1  }
0x2: {  	[smem:$0x3F9B] =	sst lr;
	_ =	strace $0xD0000000  }
0x3: {  	_ = 	snop  }
0x4: {  	_ = 	snop  }
0x5: {  	_ = 	snop  }
0x6: {  	_ = 	snop  }
0x7: {  	_ = 	snop  }
__scs_overlays_trampoline_lowered:
0x8: {  	[smem:$0x3FAA] =	sst s0  }
0x9: {  	[smem:$0x3FAB] =	sst s1  }
0xa: {  	[smem:$0x3FAC] =	sst s2  }
0xb: {  	[smem:$0x3FAD] =	sst s3  }
0xc: {  	[smem:$0x3FAE] =	sst s4  }
0xd: {  	[smem:$0x3FAF] =	sst s5  }
0xe: {  	[smem:$0x3FB0] =	sst s6  }
0xf: {  	[smem:$0x3FB1] =	sst s7  }
0x10: {  	[smem:$0x3FB2] =	sst s8  }
0x11: {  	[smem:$0x3FB3] =	sst s9;
	s0 =	simm.s32 @!p0 $0x0  }
0x12: {  	s1 =	sld [smem:$0x3F99];
	s0 =	simm.s32 @p0 $0x1  }
0x13: {  	[smem:$0x3FB4] =	sst s0;
	s0 =	simm.s32 @!p1 $0x0  }
0x14: {  	s2 =	sld [smem:$0x3F98];
	s0 =	simm.s32 @p1 $0x1  }
0x15: {  	[smem:$0x3FB5] =	sst s0;
	s0 =	simm.s32 @!p2 $0x0  }
0x16: {  	s3 =	sld [smem:$0x3FDB];
	s0 =	simm.s32 @p2 $0x1  }
0x17: {  	s4 =	simm.s32 $0x1BF5;
	[smem:$0x3FB7] =	sst s0  }
0x18: {  	s0 =	sld [smem:$0x3F9A];
	_ =	swait.ge [sflag:s4], $0x0  }
0x19: {  	s7 =	sld [smem:$0x3F9B]  }
0x1a: {  	s8 =	sadd.s32 $0xFFFFE003, lr  }
0x1b: {  	s9 =	sadd.s32 $0xFFFFFEF7, lr;
	s5 =	simm.s32 $0xFFFFFFFF;
	p2 =	slt.u32 s8, $0xFFFFF086  }
0x1c: {  	p1 =	slt.u32 s9, $0xF7A;
	s5 =	simm.s32 @!p2 $0x0  }
0x1d: {  	s5 =	simm.s32 @p1 $0x1;
	p0 =	seq.s32 s7, s2  }
0x1e: {  	s7 =	smul.u32 @!p0 $0xF7A, s2;
	p2 =	seq.s32 @!p0 s5, $0x0  }
0x1f: {  	s9 =	smul.u32 $0xF7A, s1;
	s8 =	simm.s32 @!p0 $0x1BF5;
	p2 =	por !p2, p0  }
0x20: {  	[sflag:s8] =	ssyncset.s32 @!p0 $0xFFFFF086;
	s6 =	sadd.s32 @!p0 s3, s7;
	s7 =	simm.s32 @!p0 $0x108  }
0x21: {  	s3 =	sadd.s32 s3, s9;
	s6 =	sadd.s32 @!p0 $0x88, s6;
	s7 =	simm.s32 @p2 $0x1082  }
0x22: {  	[simem:s7], [sflag:s8] =	dma.local @!p0 [hbm:s6], $0xF7A  }
0x23: {  	s9 =	sor.u32 $0xD0000000, s2;
	s6 =	simm.s32 $0x108;
	_ =	swait.ge @!p0 [sflag:s8], $0x0  }
0x24: {  	s3 =	sadd.s32 $0x88, s3;
	s6 =	simm.s32 @!p1 $0x1082;
	[sflag:s4] =	ssyncset.s32 $0xFFFFF086  }
0x25: {  	[simem:s6], [sflag:s4] =	dma.local [hbm:s3], $0xF7A  }
0x26: {  	[smem:$0x3F9B] =	sst s1;
	(tag) =	ssettag s2;
	_ =	strace s9  }
0x27: {  	s1 =	sld [smem:$0x3FAB]  }
0x28: {  	s2 =	sld [smem:$0x3FAC]  }
0x29: {  	s4 =	sld [smem:$0x3FAE]  }
0x2a: {  	p0 =	seq.s32 s5, $0x0;
	s5 =	sld [smem:$0x3FAF]  }
0x2b: {  	s6 =	sld [smem:$0x3FB0]  }
0x2c: {  	s7 =	sld [smem:$0x3FB1]  }
0x2d: {  	s3 =	simm.s32 $0x108;
	s8 =	sld [smem:$0x3FB2]  }
0x2e: {  	s3 =	simm.s32 @!p0 $0x1082;
	s9 =	sld [smem:$0x3FB3]  }
0x2f: {  	lr =	sadd.s32 s0, s3;
	s0 =	sld [smem:$0x3FAA]  }
0x30: {  	s3 =	sld [smem:$0x3FAD]  }
0x31: {  	[smem:$0x3FB6] =	sst s10  }
0x32: {  	s10 =	sld [smem:$0x3FB4];
	_ =	sdelay $0x3  }
0x33: {  	p0 =	seq.s32 s10, $0x1;
	s10 =	sld [smem:$0x3FB6];
	_ =	sdelay $0x3  }
0x34: {  	[smem:$0x3FB6] =	sst s10  }
0x35: {  	s10 =	sld [smem:$0x3FB5];
	_ =	sdelay $0x3  }
0x36: {  	p1 =	seq.s32 s10, $0x1;
	s10 =	sld [smem:$0x3FB6];
	_ =	sdelay $0x3  }
0x37: {  	[smem:$0x3FB6] =	sst s10  }
0x38: {  	s10 =	sld [smem:$0x3FB7]  }
0x39: {  	_ = 	snop;
	(pc) =	sbr.ind lr, $3  }
0x3a: {  	_ = 	snop  }
0x3b: {  	_ = 	snop  }
0x3c: {  	p2 =	seq.s32 s10, $0x1;
	s10 =	sld [smem:$0x3FB6]  }
0x3d: {  	_ =	shalt  }
0x3e: {  	_ =	shalt  }
0x3f: {  	_ =	shalt  }
0x40: {  	_ =	shalt  }
0x41: {  	_ =	shalt  }
0x42: {  	_ =	shalt  }
0x43: {  	_ =	shalt  }
0x44: {  	_ =	shalt  }
0x45: {  	_ =	shalt  }
0x46: {  	_ =	shalt  }
0x47: {  	_ =	shalt  }
0x48: {  	_ =	shalt  }
0x49: {  	_ =	shalt  }
0x4a: {  	_ =	shalt  }
0x4b: {  	_ =	shalt  }
0x4c: {  	_ =	shalt  }
0x4d: {  	_ =	shalt  }
0x4e: {  	_ =	shalt  }
0x4f: {  	_ =	shalt  }
0x50: {  	_ =	shalt  }
0x51: {  	_ =	shalt  }
0x52: {  	_ =	shalt  }
0x53: {  	_ =	shalt  }
0x54: {  	_ =	shalt  }
0x55: {  	_ =	shalt  }
0x56: {  	_ =	shalt  }
0x57: {  	_ =	shalt  }
0x58: {  	_ =	shalt  }
0x59: {  	_ =	shalt  }
0x5a: {  	_ =	shalt  }
0x5b: {  	_ =	shalt  }
0x5c: {  	_ =	shalt  }
0x5d: {  	_ =	shalt  }
0x5e: {  	_ =	shalt  }
0x5f: {  	_ =	shalt  }
0x60: {  	_ =	shalt  }
0x61: {  	_ =	shalt  }
0x62: {  	_ =	shalt  }
0x63: {  	_ =	shalt  }
0x64: {  	_ =	shalt  }
0x65: {  	_ =	shalt  }
0x66: {  	_ =	shalt  }
0x67: {  	_ =	shalt  }
0x68: {  	_ =	shalt  }
0x69: {  	_ =	shalt  }
0x6a: {  	_ =	shalt  }
0x6b: {  	_ =	shalt  }
0x6c: {  	_ =	shalt  }
0x6d: {  	_ =	shalt  }
0x6e: {  	_ =	shalt  }
0x6f: {  	_ =	shalt  }
0x70: {  	_ =	shalt  }
0x71: {  	_ =	shalt  }
0x72: {  	_ =	shalt  }
0x73: {  	_ =	shalt  }
0x74: {  	_ =	shalt  }
0x75: {  	_ =	shalt  }
0x76: {  	_ =	shalt  }
0x77: {  	_ =	shalt  }
0x78: {  	_ =	shalt  }
0x79: {  	_ =	shalt  }
0x7a: {  	_ =	shalt  }
0x7b: {  	_ =	shalt  }
0x7c: {  	_ =	shalt  }
0x7d: {  	_ =	shalt  }
0x7e: {  	_ =	shalt  }
0x7f: {  	_ =	shalt  }
0x80: {  	_ =	shalt  }
0x81: {  	_ =	shalt  }
0x82: {  	_ =	shalt  }
0x83: {  	_ =	shalt  }
0x84: {  	_ =	shalt  }
0x85: {  	_ =	shalt  }
0x86: {  	_ =	shalt  }
0x87: {  	_ =	shalt  }
.Lfunc_end0:
.L_simem_size_0:
called_computation.1_lowered:
.L_overlay_start_0:
0x88: {  	s2 =	sld [smem:$0x3FD9]  }
0x89: {  	s3 =	sld [smem:$0x3FFE];
	_ =	sdelay $0x1  }
0x8a: {  	s1 =	srdreg.scid  }
0x8b: {  	s0 =	sand.u32 $0x1, s1  }
0x8c: {  	s16 =	sshll.u32 s0, $0xA;
	s2 =	sadd.s32 s3, s2  }
0x8d: {  	s2 =	sadd.s32 s2, s16  }
0x8e: {  	[smem:$0x3FC2] =	sst s2  }
0x8f: {  	_ = 	snop  }
0x90: {  	(tm) =	ssettm $0x1  }
0x91: {  	s17 =	sld [smem:$0x3FFB];
	_ =	sdelay $0x3  }
0x92: {  	_ =	strace s17  }
0x93: {  	s2 =	sld [smem:$0x3FFC];
	_ =	sdelay $0x3  }
0x94: {  	_ =	strace s2  }
0x95: {  	s2 =	sld [smem:$0x3FFD];
	_ =	sdelay $0x3  }
0x96: {  	_ =	strace s2  }
0x97: {  	_ =	strace $0x8FFFFFFF  }
0x98: {  	s18 =	sld [smem:$0x3FDB];
	_ =	sdelay $0x1  }
0x99: {  	s19 =	simm.s32 $_scs_section_size  }
0x9a: {  	s4 =	simm.s32 $_size__tile_overlayer_lowered;
	s5 =	simm.s32 $_tile_overlayer_lowered  }
0x9b: {  	s22 =	simm.s32 $0x1BFF;
	s21 =	sshll.u32 s5, $0x1;
	s2 =	sadd.s32 s19, s18  }
0x9c: {  	s6 =	simm.s32 $0x0;
	s20 =	sshll.u32 s4, $0x1;
	s4 =	sadd.s32 s21, s2  }
0x9d: {  	[timem:s6], [sflag:s22] =	dma.local [hbm:s4], s20  }
0x9e: {  	_ =	swait.ge [sflag:s22], s20  }
0x9f: {  	s3 =	ssub.s32 $0x0, s20;
	[sflag:s22] =	ssyncset.done $0x0  }
0xa0: {  	[sflag:s22] =	ssyncadd.s32 s3;
	_ =	sdelay $0x1  }
0xa1: {  	s23 =	simm.s32 $0x1B8B  }
0xa2: {  	_ =	swait.ge [sflag:s23], $0x1  }
0xa3: {  	[sflag:s23] =	ssyncset.done $0x0  }
0xa4: {  	s25 =	simm.s32 $0x1B8E;
	s24 =	sld [smem:$0x3FFE];
	[sflag:s23] =	ssyncadd.s32 $0xFFFFFFFF  }
0xa5: {  	s26 =	simm.s32 $execute0_lowered;
	[smem:$0x3FD2] =	sst s25  }
0xa6: {  	s4 =	sshll.u32 s26, $0x1;
	_ =	strace $0x80000049;
	[dreg:$0x1] =	wrdreg $0xFFFFFFFF  }
0xa7: {  	s28 =	simm.s32 $_size_execute0_lowered;
	s2 =	sadd.s32 s2, s4;
	[dreg:$0x0] =	wrdreg $0x0  }
0xa8: {  	s4 =	sshll.u32 s28, $0x1;
	[dreg:$0x2] =	wrdreg s2  }
0xa9: {  	[dreg:$0x3] =	wrdreg s4  }
0xaa: {  	[dreg:$0x4] =	wrdreg $0xC0  }
0xab: {  	_ =	task [dreg:s6], $0x5FFFF  }
0xac: {  	[dreg:$0x1] =	wrdreg $0xFFFFFFFF  }
0xad: {  	[dreg:$0x0] =	wrdreg $0x60  }
0xae: {  	[dreg:$0x2] =	wrdreg s24  }
0xaf: {  	[dreg:$0x3] =	wrdreg $0x9  }
0xb0: {  	_ =	task.clear_ibuf [dreg:s6], $0x4FFFF;
	_ =	strace $0x90000049  }
0xb1: {  	s29 =	simm.s32 $0x9;
	_ =	strace $0x8000004B  }
0xb2: {  	_ =	swait.ge [sflag:s29], $0x1  }
0xb3: {  	[sflag:s29] =	ssyncadd.s32 $0xFFFFFFFF  }
0xb4: {  	_ =	strace $0x9000004B  }
0xb5: {  	_ =	sfence  }
0xb6: {  	s30 =	sld [smem:$0x0];
	_ =	sdelay $0x2  }
0xb7: {  	s31 =	sshll.u32 s1, $0xD;
	s1 =	sshrl.u32 s1, $0x2  }
0xb8: {  	s3 =	sand.u32 $0x4000, s31;
	s1 =	sadd.s32 s1, s30  }
0xb9: {  	s0 =	sor.u32 s3, s0;
	s1 =	sshll.u32 s1, $0x11  }
0xba: {  	s0 =	sor.u32 s1, s0  }
0xbb: {  	s0 =	sadd.s32 $0x8F2B, s0  }
0xbc: {  	[sflag:s0] =	ssyncadd.remote.s32 $0x1  }
0xbd: {  	_ =	sfence.sel $0xFFFF  }
0xbe: {  	[dreg:$0x0] =	wrdreg $0xFFFFFFFF;
	(pc) =	sbr.abs _section_cstart, $3  }
0xbf: {  	[dreg:$0x1] =	wrdreg $0xFFFFFFFF  }
0xc0: {  	_ =	task.clear_ibuf [dreg:s6], $0x2FFFF;
	_ =	strace $0x9FFFFFFF  }
0xc1: {  	(tm) =	ssettm $0x7FFFFFFF  }
tec
execute0_lowered:
.L_overlay_start_1:
0x0: {  	(tag) =	ssettag $0x1  }
0x1: {  	s0 =	srdreg.scid  }
0x2: {  	s4 =	stileid.u32;
	s19 =	rddreg [dreg:$0x0]  }
0x3: {  	s3 =	simm.s32 $0x1;
	s2 =	simm.s32 $0x0;
	s28 =	simm.s32 $0x4880  }
0x4: {  	s29 =	simm.s32 $0x5080;
	s30 =	simm.s32 $0x5880;
	s31 =	simm.s32 $0x6080  }
0x5: {  	s10 =	simm.s32 $0x7880;
	s11 =	simm.s32 $0x8080;
	s12 =	simm.s32 $0x8880  }
0x6: {  	s13 =	simm.s32 $0x9080;
	s14 =	simm.s32 $0x9880;
	s0 =	sand.u32 $0x1, s0  }
0x7: {  	s15 =	simm.s32 $0xA080;
	s16 =	simm.s32 $0xA880;
	s1 =	sor.u32 s0, s4  }
0x8: {  	p0 =	seq.s32 s0, $0x1;
	s20 =	sshll.u32 s0, $0x7;
	p1 =	seq.s32 s1, $0x0  }
0x9: {  	s6 =	sshll.u32 s0, $0xB;
	s0 =	ssub.s32 $0x2, s0;
	p0 =	por !p1, !p0  }
0xa: {  	s17 =	simm.s32 $0xB080;
	s8 =	sshrl.u32 s0, $0x1;
	p0 =	por !p0, !p0  }
0xb: {  	[smem:$0x7FF] =	sst s2;
	s0 =	ssub.s32 s0, s8;
	s3 =	simm.s32 @!p0 $0x0  }
0xc: {  	_ =	strace $0x8000004A;
	s8 =	smax.u32 s0, $0x1;
	s3 =	ssub.s32 s4, s3  }
0xd: {  	s0 =	simm.s32 $0x80;
	s5 =	sshll.u32 s3, $0x8;
	s21 =	sshll.u32 s3, $0x7  }
0xe: {  	s3 =	sadd.s32 $0x302000, s19;
	s4 =	sor.u32 s20, s5;
	s5 =	sadd.s32 s6, s21  }
0xf: {  	s20 =	simm.s32 $0x1080;
	s21 =	simm.s32 $0x1880;
	s7 =	sshrl.u32 s4, $0x3  }
0x10: {  	s4 =	simm.s32 $0x1;
	s5 =	sshll.u32 s5, $0x7;
	s22 =	sadd.s32 s7, s19  }
0x11: {  	s23 =	sadd.s32 s5, s19;
	s5 =	sadd.s32 $0x302100, s19;
	s24 =	sadd.s32 $0x11E00, s22  }
0x12: {  	s7 =	sadd.s32 $0x302300, s19;
	s25 =	sadd.s32 $0x12000, s23;
	[dreg:$0x2] =	wrdreg s24  }
0x13: {  	s6 =	sadd.s32 $0x11E08, s22;
	s26 =	sadd.s32 $0x14000, s23;
	[dreg:$0x3] =	wrdreg s25  }
0x14: {  	v2 =	vlaneseq.u32;
	s22 =	simm.s32 $0x2080;
	s23 =	simm.s32 $0x2880;
	[dreg:$0x4] =	wrdreg s6  }
0x15: {  	vm0 =	vmmov $0xffff;
	v1 =	vshrl.u32 v2, $0x3;
	s6 =	sadd.s32 $0x302200, s19;
	[dreg:$0x5] =	wrdreg s26;
	s19 =	simm.s32 $0x880  }
0x16: {  	v0 =	vand.u32 $0x7, v2;
	v2 =	vor.u32 $0x8, v2;
	v1 =	vmul.u32 $0x8, v1;
	s24 =	simm.s32 $0x3080;
	s25 =	simm.s32 $0x3880;
	s26 =	simm.s32 $0x4080  }
.LBB2_1:
0x17: {  	s18 =	rddreg [dreg:$0x2]  }
0x18: {  	[tilespmem:s2], [sflag:$0x1] =	stream.linear.gather [hbm4b:s18+s2], $0x40, $0x38;
	[tilespmem:$0x10080] =	vst v63  }
0x19: {  	_ =	swait.ge [sflag:s4], $0x40  }
0x1a: {  	[sflag:s4] =	ssyncset.done $0x0  }
0x1b: {  	[sflag:s4] =	ssyncadd.s32 $0xFFFFFFC0  }
0x1c: {  	v3 =	vld [tilespmem:$0x0];
	_ =	sdelay $0x4  }
0x1d: {  	v4 =	vshll.u32 v3, $0x3  }
0x1e: {  	v3 =	vand.u32 $0x7, v3;
	v4 =	vand.u32 $0xFFFFFFC0, v4  }
0x1f: {  	v3 =	vor.u32 v3, v4  }
0x20: {  	v4 =	vperm.xlane v3, v0;
	_ =	sdelay $0x1  }
0x21: {  	v4 =	vadd.s32 v1, v4;
	_ =	sdelay $0x4  }
0x22: {  	[tilespmem:s0], [sflag:$0x1] =	stream.indirect_vreg.gather [hbm4b:s3+s2], $0x80, v4, vm0, $0xb8;
	[tilespmem:$0x10080] =	vst v63  }
0x23: {  	v3 =	vperm.xlane v3, v2  }
0x24: {  	[tilespmem:s19], [sflag:$0x1] =	stream.indirect_vreg.gather [hbm4b:s5+s2], $0x80, v4, vm0, $0xb8;
	[tilespmem:$0x10080] =	vst v63  }
0x25: {  	v3 =	vadd.s32 v1, v3  }
0x26: {  	[tilespmem:s20], [sflag:$0x1] =	stream.indirect_vreg.gather [hbm4b:s6+s2], $0x80, v4, vm0, $0xb8;
	[tilespmem:$0x10080] =	vst v63  }
0x27: {  	_ = 	snop  }
0x28: {  	[tilespmem:s21], [sflag:$0x1] =	stream.indirect_vreg.gather [hbm4b:s7+s2], $0x80, v4, vm0, $0xb8;
	[tilespmem:$0x10080] =	vst v63  }
0x29: {  	_ = 	snop  }
0x2a: {  	[tilespmem:s22], [sflag:$0x1] =	stream.indirect_vreg.gather [hbm4b:s3+s2], $0x80, v3, vm0, $0xb8;
	[tilespmem:$0x10080] =	vst v63  }
0x2b: {  	_ = 	snop  }
0x2c: {  	[tilespmem:s23], [sflag:$0x1] =	stream.indirect_vreg.gather [hbm4b:s5+s2], $0x80, v3, vm0, $0xb8;
	[tilespmem:$0x10080] =	vst v63  }
0x2d: {  	_ = 	snop  }
0x2e: {  	[tilespmem:s24], [sflag:$0x1] =	stream.indirect_vreg.gather [hbm4b:s6+s2], $0x80, v3, vm0, $0xb8;
	[tilespmem:$0x10080] =	vst v63  }
0x2f: {  	_ = 	snop  }
0x30: {  	[tilespmem:s25], [sflag:$0x1] =	stream.indirect_vreg.gather [hbm4b:s7+s2], $0x80, v3, vm0, $0xb8;
	[tilespmem:$0x10080] =	vst v63  }
0x31: {  	v3 =	vld [tilespmem:$0x10];
	_ =	sdelay $0x4  }
0x32: {  	v57 =	vshll.u32 v3, $0x3  }
0x33: {  	v3 =	vand.u32 $0x7, v3;
	v4 =	vand.u32 $0xFFFFFFC0, v57  }
0x34: {  	v3 =	vor.u32 v3, v4  }
0x35: {  	v4 =	vperm.xlane v3, v0;
	_ =	sdelay $0x1  }
0x36: {  	v4 =	vadd.s32 v1, v4;
	_ =	sdelay $0x4  }
0x37: {  	[tilespmem:s26], [sflag:$0x1] =	stream.indirect_vreg.gather [hbm4b:s3+s2], $0x80, v4, vm0, $0xb8;
	[tilespmem:$0x10080] =	vst v63  }
0x38: {  	v3 =	vperm.xlane v3, v2  }
0x39: {  	[tilespmem:s28], [sflag:$0x1] =	stream.indirect_vreg.gather [hbm4b:s5+s2], $0x80, v4, vm0, $0xb8;
	[tilespmem:$0x10080] =	vst v63  }
0x3a: {  	v3 =	vadd.s32 v1, v3  }
0x3b: {  	[tilespmem:s29], [sflag:$0x1] =	stream.indirect_vreg.gather [hbm4b:s6+s2], $0x80, v4, vm0, $0xb8;
	[tilespmem:$0x10080] =	vst v63  }
0x3c: {  	_ = 	snop  }
0x3d: {  	[tilespmem:s30], [sflag:$0x1] =	stream.indirect_vreg.gather [hbm4b:s7+s2], $0x80, v4, vm0, $0xb8;
	[tilespmem:$0x10080] =	vst v63  }
0x3e: {  	_ = 	snop  }
0x3f: {  	[tilespmem:s31], [sflag:$0x1] =	stream.indirect_vreg.gather [hbm4b:s3+s2], $0x80, v3, vm0, $0xb8;
	[tilespmem:$0x10080] =	vst v63  }
0x40: {  	s1 =	simm.s32 $0x6880  }
0x41: {  	[tilespmem:s1], [sflag:$0x1] =	stream.indirect_vreg.gather [hbm4b:s5+s2], $0x80, v3, vm0, $0xb8;
	[tilespmem:$0x10080] =	vst v63  }
0x42: {  	s9 =	simm.s32 $0x7080  }
0x43: {  	[tilespmem:s9], [sflag:$0x1] =	stream.indirect_vreg.gather [hbm4b:s6+s2], $0x80, v3, vm0, $0xb8;
	[tilespmem:$0x10080] =	vst v63  }
0x44: {  	_ = 	snop  }
0x45: {  	[tilespmem:s10], [sflag:$0x1] =	stream.indirect_vreg.gather [hbm4b:s7+s2], $0x80, v3, vm0, $0xb8;
	[tilespmem:$0x10080] =	vst v63  }
0x46: {  	v3 =	vld [tilespmem:$0x20];
	_ =	sdelay $0x4  }
0x47: {  	v58 =	vshll.u32 v3, $0x3  }
0x48: {  	v3 =	vand.u32 $0x7, v3;
	v4 =	vand.u32 $0xFFFFFFC0, v58  }
0x49: {  	v3 =	vor.u32 v3, v4  }
0x4a: {  	v4 =	vperm.xlane v3, v0;
	_ =	sdelay $0x1  }
0x4b: {  	v4 =	vadd.s32 v1, v4;
	_ =	sdelay $0x4  }
0x4c: {  	[tilespmem:s11], [sflag:$0x1] =	stream.indirect_vreg.gather [hbm4b:s3+s2], $0x80, v4, vm0, $0xb8;
	[tilespmem:$0x10080] =	vst v63  }
0x4d: {  	v3 =	vperm.xlane v3, v2  }
0x4e: {  	[tilespmem:s12], [sflag:$0x1] =	stream.indirect_vreg.gather [hbm4b:s5+s2], $0x80, v4, vm0, $0xb8;
	[tilespmem:$0x10080] =	vst v63  }
0x4f: {  	v3 =	vadd.s32 v1, v3  }
0x50: {  	[tilespmem:s13], [sflag:$0x1] =	stream.indirect_vreg.gather [hbm4b:s6+s2], $0x80, v4, vm0, $0xb8;
	[tilespmem:$0x10080] =	vst v63  }
0x51: {  	_ = 	snop  }
0x52: {  	[tilespmem:s14], [sflag:$0x1] =	stream.indirect_vreg.gather [hbm4b:s7+s2], $0x80, v4, vm0, $0xb8;
	[tilespmem:$0x10080] =	vst v63  }
0x53: {  	_ = 	snop  }
0x54: {  	[tilespmem:s15], [sflag:$0x1] =	stream.indirect_vreg.gather [hbm4b:s3+s2], $0x80, v3, vm0, $0xb8;
	[tilespmem:$0x10080] =	vst v63  }
0x55: {  	_ = 	snop  }
0x56: {  	[tilespmem:s16], [sflag:$0x1] =	stream.indirect_vreg.gather [hbm4b:s5+s2], $0x80, v3, vm0, $0xb8;
	[tilespmem:$0x10080] =	vst v63  }
0x57: {  	_ = 	snop  }
0x58: {  	[tilespmem:s17], [sflag:$0x1] =	stream.indirect_vreg.gather [hbm4b:s6+s2], $0x80, v3, vm0, $0xb8;
	[tilespmem:$0x10080] =	vst v63  }
0x59: {  	s9 =	simm.s32 $0xB880  }
0x5a: {  	[tilespmem:s9], [sflag:$0x1] =	stream.indirect_vreg.gather [hbm4b:s7+s2], $0x80, v3, vm0, $0xb8;
	[tilespmem:$0x10080] =	vst v63  }
0x5b: {  	v3 =	vld [tilespmem:$0x30];
	_ =	sdelay $0x4  }
0x5c: {  	v59 =	vshll.u32 v3, $0x3  }
0x5d: {  	v3 =	vand.u32 $0x7, v3;
	v4 =	vand.u32 $0xFFFFFFC0, v59  }
0x5e: {  	v3 =	vor.u32 v3, v4  }
0x5f: {  	v4 =	vperm.xlane v3, v0;
	_ =	sdelay $0x1  }
0x60: {  	v4 =	vadd.s32 v1, v4;
	_ =	sdelay $0x3  }
0x61: {  	s18 =	simm.s32 $0xC080  }
0x62: {  	[tilespmem:s18], [sflag:$0x1] =	stream.indirect_vreg.gather [hbm4b:s3+s2], $0x80, v4, vm0, $0xb8;
	[tilespmem:$0x10080] =	vst v63  }
0x63: {  	v3 =	vperm.xlane v3, v2;
	s18 =	simm.s32 $0xC880  }
0x64: {  	[tilespmem:s18], [sflag:$0x1] =	stream.indirect_vreg.gather [hbm4b:s5+s2], $0x80, v4, vm0, $0xb8;
	[tilespmem:$0x10080] =	vst v63  }
0x65: {  	v3 =	vadd.s32 v1, v3;
	s18 =	simm.s32 $0xD080  }
0x66: {  	[tilespmem:s18], [sflag:$0x1] =	stream.indirect_vreg.gather [hbm4b:s6+s2], $0x80, v4, vm0, $0xb8;
	[tilespmem:$0x10080] =	vst v63  }
0x67: {  	s18 =	simm.s32 $0xD880  }
0x68: {  	[tilespmem:s18], [sflag:$0x1] =	stream.indirect_vreg.gather [hbm4b:s7+s2], $0x80, v4, vm0, $0xb8;
	[tilespmem:$0x10080] =	vst v63  }
0x69: {  	s18 =	simm.s32 $0xE080  }
0x6a: {  	[tilespmem:s18], [sflag:$0x1] =	stream.indirect_vreg.gather [hbm4b:s3+s2], $0x80, v3, vm0, $0xb8;
	[tilespmem:$0x10080] =	vst v63  }
0x6b: {  	s18 =	simm.s32 $0xE880  }
0x6c: {  	[tilespmem:s18], [sflag:$0x1] =	stream.indirect_vreg.gather [hbm4b:s5+s2], $0x80, v3, vm0, $0xb8;
	[tilespmem:$0x10080] =	vst v63  }
0x6d: {  	s18 =	simm.s32 $0xF080  }
0x6e: {  	[tilespmem:s18], [sflag:$0x1] =	stream.indirect_vreg.gather [hbm4b:s6+s2], $0x80, v3, vm0, $0xb8;
	[tilespmem:$0x10080] =	vst v63  }
0x6f: {  	s18 =	simm.s32 $0xF880  }
0x70: {  	[tilespmem:s18], [sflag:$0x1] =	stream.indirect_vreg.gather [hbm4b:s7+s2], $0x80, v3, vm0, $0xb8;
	[tilespmem:$0x10080] =	vst v63  }
0x71: {  	_ =	swait.ge [sflag:s4], $0x10000  }
0x72: {  	[sflag:s4] =	ssyncset.done $0x0  }
0x73: {  	s18 =	rddreg [dreg:$0x3];
	[sflag:s4] =	ssyncadd.s32 $0xFFFF0000  }
0x74: {  	[hbm4b:s18+s2] =	stream.linear.scatter [tilespmem:s0], [sflag:$0x1], $0x10000, $0x38;
	[tilespmem:$0x10080] =	vst v63  }
0x75: {  	_ =	swait.ge [sflag:s4], $0x10000  }
0x76: {  	[sflag:s4] =	ssyncset.done $0x0  }
0x77: {  	s18 =	rddreg [dreg:$0x4];
	[sflag:s4] =	ssyncadd.s32 $0xFFFF0000  }
0x78: {  	[tilespmem:s2], [sflag:$0x1] =	stream.linear.gather [hbm4b:s18+s2], $0x40, $0x38;
	[tilespmem:$0x10080] =	vst v63  }
0x79: {  	_ =	swait.ge [sflag:s4], $0x40  }
0x7a: {  	[sflag:s4] =	ssyncset.done $0x0  }
0x7b: {  	[sflag:s4] =	ssyncadd.s32 $0xFFFFFFC0  }
0x7c: {  	v3 =	vld [tilespmem:$0x0];
	_ =	sdelay $0x4  }
0x7d: {  	v60 =	vshll.u32 v3, $0x3  }
0x7e: {  	v3 =	vand.u32 $0x7, v3;
	v4 =	vand.u32 $0xFFFFFFC0, v60  }
0x7f: {  	v3 =	vor.u32 v3, v4  }
0x80: {  	v4 =	vperm.xlane v3, v0;
	_ =	sdelay $0x1  }
0x81: {  	v4 =	vadd.s32 v1, v4;
	_ =	sdelay $0x4  }
0x82: {  	[tilespmem:s0], [sflag:$0x1] =	stream.indirect_vreg.gather [hbm4b:s3+s2], $0x80, v4, vm0, $0xb8;
	[tilespmem:$0x10080] =	vst v63  }
0x83: {  	v3 =	vperm.xlane v3, v2  }
0x84: {  	[tilespmem:s19], [sflag:$0x1] =	stream.indirect_vreg.gather [hbm4b:s5+s2], $0x80, v4, vm0, $0xb8;
	[tilespmem:$0x10080] =	vst v63  }
0x85: {  	v3 =	vadd.s32 v1, v3  }
0x86: {  	[tilespmem:s20], [sflag:$0x1] =	stream.indirect_vreg.gather [hbm4b:s6+s2], $0x80, v4, vm0, $0xb8;
	[tilespmem:$0x10080] =	vst v63  }
0x87: {  	_ = 	snop  }
0x88: {  	[tilespmem:s21], [sflag:$0x1] =	stream.indirect_vreg.gather [hbm4b:s7+s2], $0x80, v4, vm0, $0xb8;
	[tilespmem:$0x10080] =	vst v63  }
0x89: {  	_ = 	snop  }
0x8a: {  	[tilespmem:s22], [sflag:$0x1] =	stream.indirect_vreg.gather [hbm4b:s3+s2], $0x80, v3, vm0, $0xb8;
	[tilespmem:$0x10080] =	vst v63  }
0x8b: {  	_ = 	snop  }
0x8c: {  	[tilespmem:s23], [sflag:$0x1] =	stream.indirect_vreg.gather [hbm4b:s5+s2], $0x80, v3, vm0, $0xb8;
	[tilespmem:$0x10080] =	vst v63  }
0x8d: {  	_ = 	snop  }
0x8e: {  	[tilespmem:s24], [sflag:$0x1] =	stream.indirect_vreg.gather [hbm4b:s6+s2], $0x80, v3, vm0, $0xb8;
	[tilespmem:$0x10080] =	vst v63  }
0x8f: {  	_ = 	snop  }
0x90: {  	[tilespmem:s25], [sflag:$0x1] =	stream.indirect_vreg.gather [hbm4b:s7+s2], $0x80, v3, vm0, $0xb8;
	[tilespmem:$0x10080] =	vst v63  }
0x91: {  	v3 =	vld [tilespmem:$0x10];
	_ =	sdelay $0x4  }
0x92: {  	v61 =	vshll.u32 v3, $0x3  }
0x93: {  	v3 =	vand.u32 $0x7, v3;
	v4 =	vand.u32 $0xFFFFFFC0, v61  }
0x94: {  	v3 =	vor.u32 v3, v4  }
0x95: {  	v4 =	vperm.xlane v3, v0;
	_ =	sdelay $0x1  }
0x96: {  	v4 =	vadd.s32 v1, v4;
	_ =	sdelay $0x4  }
0x97: {  	[tilespmem:s26], [sflag:$0x1] =	stream.indirect_vreg.gather [hbm4b:s3+s2], $0x80, v4, vm0, $0xb8;
	[tilespmem:$0x10080] =	vst v63  }
0x98: {  	v3 =	vperm.xlane v3, v2  }
0x99: {  	[tilespmem:s28], [sflag:$0x1] =	stream.indirect_vreg.gather [hbm4b:s5+s2], $0x80, v4, vm0, $0xb8;
	[tilespmem:$0x10080] =	vst v63  }
0x9a: {  	v3 =	vadd.s32 v1, v3  }
0x9b: {  	[tilespmem:s29], [sflag:$0x1] =	stream.indirect_vreg.gather [hbm4b:s6+s2], $0x80, v4, vm0, $0xb8;
	[tilespmem:$0x10080] =	vst v63  }
0x9c: {  	_ = 	snop  }
0x9d: {  	[tilespmem:s30], [sflag:$0x1] =	stream.indirect_vreg.gather [hbm4b:s7+s2], $0x80, v4, vm0, $0xb8;
	[tilespmem:$0x10080] =	vst v63  }
0x9e: {  	_ = 	snop  }
0x9f: {  	[tilespmem:s31], [sflag:$0x1] =	stream.indirect_vreg.gather [hbm4b:s3+s2], $0x80, v3, vm0, $0xb8;
	[tilespmem:$0x10080] =	vst v63  }
0xa0: {  	_ = 	snop  }
0xa1: {  	[tilespmem:s1], [sflag:$0x1] =	stream.indirect_vreg.gather [hbm4b:s5+s2], $0x80, v3, vm0, $0xb8;
	[tilespmem:$0x10080] =	vst v63  }
0xa2: {  	s18 =	simm.s32 $0x7080  }
0xa3: {  	[tilespmem:s18], [sflag:$0x1] =	stream.indirect_vreg.gather [hbm4b:s6+s2], $0x80, v3, vm0, $0xb8;
	[tilespmem:$0x10080] =	vst v63  }
0xa4: {  	_ = 	snop  }
0xa5: {  	[tilespmem:s10], [sflag:$0x1] =	stream.indirect_vreg.gather [hbm4b:s7+s2], $0x80, v3, vm0, $0xb8;
	[tilespmem:$0x10080] =	vst v63  }
0xa6: {  	v3 =	vld [tilespmem:$0x20];
	_ =	sdelay $0x4  }
0xa7: {  	v62 =	vshll.u32 v3, $0x3  }
0xa8: {  	v3 =	vand.u32 $0x7, v3;
	v4 =	vand.u32 $0xFFFFFFC0, v62  }
0xa9: {  	v3 =	vor.u32 v3, v4  }
0xaa: {  	v4 =	vperm.xlane v3, v0;
	_ =	sdelay $0x1  }
0xab: {  	v4 =	vadd.s32 v1, v4;
	_ =	sdelay $0x4  }
0xac: {  	[tilespmem:s11], [sflag:$0x1] =	stream.indirect_vreg.gather [hbm4b:s3+s2], $0x80, v4, vm0, $0xb8;
	[tilespmem:$0x10080] =	vst v63  }
0xad: {  	v3 =	vperm.xlane v3, v2  }
0xae: {  	[tilespmem:s12], [sflag:$0x1] =	stream.indirect_vreg.gather [hbm4b:s5+s2], $0x80, v4, vm0, $0xb8;
	[tilespmem:$0x10080] =	vst v63  }
0xaf: {  	v3 =	vadd.s32 v1, v3  }
0xb0: {  	[tilespmem:s13], [sflag:$0x1] =	stream.indirect_vreg.gather [hbm4b:s6+s2], $0x80, v4, vm0, $0xb8;
	[tilespmem:$0x10080] =	vst v63  }
0xb1: {  	_ = 	snop  }
0xb2: {  	[tilespmem:s14], [sflag:$0x1] =	stream.indirect_vreg.gather [hbm4b:s7+s2], $0x80, v4, vm0, $0xb8;
	[tilespmem:$0x10080] =	vst v63  }
0xb3: {  	_ = 	snop  }
0xb4: {  	[tilespmem:s15], [sflag:$0x1] =	stream.indirect_vreg.gather [hbm4b:s3+s2], $0x80, v3, vm0, $0xb8;
	[tilespmem:$0x10080] =	vst v63  }
0xb5: {  	_ = 	snop  }
0xb6: {  	[tilespmem:s16], [sflag:$0x1] =	stream.indirect_vreg.gather [hbm4b:s5+s2], $0x80, v3, vm0, $0xb8;
	[tilespmem:$0x10080] =	vst v63  }
0xb7: {  	_ = 	snop  }
0xb8: {  	[tilespmem:s17], [sflag:$0x1] =	stream.indirect_vreg.gather [hbm4b:s6+s2], $0x80, v3, vm0, $0xb8;
	[tilespmem:$0x10080] =	vst v63  }
0xb9: {  	_ = 	snop  }
0xba: {  	[tilespmem:s9], [sflag:$0x1] =	stream.indirect_vreg.gather [hbm4b:s7+s2], $0x80, v3, vm0, $0xb8;
	[tilespmem:$0x10080] =	vst v63  }
0xbb: {  	v3 =	vld [tilespmem:$0x30];
	_ =	sdelay $0x4  }
0xbc: {  	v63 =	vshll.u32 v3, $0x3  }
0xbd: {  	v3 =	vand.u32 $0x7, v3;
	v4 =	vand.u32 $0xFFFFFFC0, v63  }
0xbe: {  	v3 =	vor.u32 v3, v4  }
0xbf: {  	v4 =	vperm.xlane v3, v0;
	_ =	sdelay $0x1  }
0xc0: {  	v4 =	vadd.s32 v1, v4;
	_ =	sdelay $0x3  }
0xc1: {  	s9 =	simm.s32 $0xC080  }
0xc2: {  	[tilespmem:s9], [sflag:$0x1] =	stream.indirect_vreg.gather [hbm4b:s3+s2], $0x80, v4, vm0, $0xb8;
	[tilespmem:$0x10080] =	vst v63  }
0xc3: {  	s18 =	simm.s32 $0xC880;
	v3 =	vperm.xlane v3, v2  }
0xc4: {  	[tilespmem:s18], [sflag:$0x1] =	stream.indirect_vreg.gather [hbm4b:s5+s2], $0x80, v4, vm0, $0xb8;
	[tilespmem:$0x10080] =	vst v63  }
0xc5: {  	v3 =	vadd.s32 v1, v3;
	s9 =	simm.s32 $0xD080  }
0xc6: {  	[tilespmem:s9], [sflag:$0x1] =	stream.indirect_vreg.gather [hbm4b:s6+s2], $0x80, v4, vm0, $0xb8;
	[tilespmem:$0x10080] =	vst v63  }
0xc7: {  	s18 =	simm.s32 $0xD880  }
0xc8: {  	[tilespmem:s18], [sflag:$0x1] =	stream.indirect_vreg.gather [hbm4b:s7+s2], $0x80, v4, vm0, $0xb8;
	[tilespmem:$0x10080] =	vst v63  }
0xc9: {  	s9 =	simm.s32 $0xE080  }
0xca: {  	[tilespmem:s9], [sflag:$0x1] =	stream.indirect_vreg.gather [hbm4b:s3+s2], $0x80, v3, vm0, $0xb8;
	[tilespmem:$0x10080] =	vst v63  }
0xcb: {  	s18 =	simm.s32 $0xE880  }
0xcc: {  	[tilespmem:s18], [sflag:$0x1] =	stream.indirect_vreg.gather [hbm4b:s5+s2], $0x80, v3, vm0, $0xb8;
	[tilespmem:$0x10080] =	vst v63  }
0xcd: {  	s9 =	simm.s32 $0xF080  }
0xce: {  	[tilespmem:s9], [sflag:$0x1] =	stream.indirect_vreg.gather [hbm4b:s6+s2], $0x80, v3, vm0, $0xb8;
	[tilespmem:$0x10080] =	vst v63  }
0xcf: {  	s18 =	simm.s32 $0xF880  }
0xd0: {  	[tilespmem:s18], [sflag:$0x1] =	stream.indirect_vreg.gather [hbm4b:s7+s2], $0x80, v3, vm0, $0xb8;
	[tilespmem:$0x10080] =	vst v63  }
0xd1: {  	_ =	swait.ge [sflag:s4], $0x10000  }
0xd2: {  	p0 =	sne.s32 s8, $0x1;
	[sflag:s4] =	ssyncset.done $0x0  }
.Ltmp0:
0xd3: {  	s9 =	rddreg [dreg:$0x5];
	[sflag:s4] =	ssyncadd.s32 $0xFFFF0000;
	(pc) =	sbr.rel @p0 .LBB2_1-.Ltmp0, $4  }
0xd4: {  	[hbm4b:s9+s2] =	stream.linear.scatter [tilespmem:s0], [sflag:$0x1], $0x10000, $0x38;
	[tilespmem:$0x10080] =	vst v63  }
0xd5: {  	_ =	swait.ge [sflag:s4], $0x10000  }
0xd6: {  	[sflag:s4] =	ssyncset.done $0x0  }
0xd7: {  	s8 =	sadd.s32 $0xFFFFFFFF, s8;
	[sflag:s4] =	ssyncadd.s32 $0xFFFF0000  }
0xd8: {  	_ =	sfence.sel $0x180000  }
0xd9: {  	[bflag:$0x0] =	sbarrier.arrive $0xFFFF  }
0xda: {  	_ =	strace $0x9000004A  }
0xdb: {  	s0 =	stileid.u32;
	[bflag:$0x2] =	sbarrier.arrive $0xFFFF  }
0xdc: {  	p0 =	sne.s32 s0, $0x0;
	s0 =	rddreg [dreg:$0x1]  }
0xdd: {  	s0 =	sadd.s32 @!p0 $0x100000, s0  }
0xde: {  	[sflag:s0] =	ssyncadd.tile.s32 @!p0 $0x1;
	_ =	shalt  }
.Lfunc_end2:
_tile_overlayer_lowered:
.L_overlay_start_2:
0xdf: {  	(tag) =	ssettag $0x2  }
0xe0: {  	s0 =	rddreg [dreg:$0x0];
	s2 =	stileid.u32  }
0xe1: {  	s1 =	rddreg [dreg:$0x1];
	p0 =	sne.s32 s2, $0x0  }
0xe2: {  	s3 =	rddreg [dreg:$0x2];
	[bflag:$0x3] =	sbarrier.arrive $0xFFFF;
	s2 =	simm.s32 @!p0 $0x1C01  }
0xe3: {  	[timem:s3], [sflag:s2] =	dma.local @!p0 [hbm:s0], s1  }
0xe4: {  	s0 =	simm.s32 @!p0 $0x1  }
0xe5: {  	_ =	swait.ge @!p0 [sflag:s0], s1  }
0xe6: {  	s1 =	ssub.s32 @!p0 $0x0, s1;
	[sflag:s0] =	ssyncset.done @!p0 $0x0  }
0xe7: {  	[sflag:s0] =	ssyncadd.s32 @!p0 s1  }
0xe8: {  	[bflag:$0x3] =	sbarrier.arrive $0xFFFF  }
0xe9: {  	_ =	shalt  }

// kernel: kernel.7.cloned.1.call-start
scs
__scs_entry_jumppad:
0x0: {  	(pc) =	sbr.rel $0x88, $3  }
0x1: {  	(tag) =	ssettag $0x0;
	lr =	simm.s32 $0x1  }
0x2: {  	[smem:$0x3F9B] =	sst lr;
	_ =	strace $0xD0000000  }
0x3: {  	_ = 	snop  }
0x4: {  	_ = 	snop  }
0x5: {  	_ = 	snop  }
0x6: {  	_ = 	snop  }
0x7: {  	_ = 	snop  }
__scs_overlays_trampoline_lowered:
0x8: {  	[smem:$0x3FAA] =	sst s0  }
0x9: {  	[smem:$0x3FAB] =	sst s1  }
0xa: {  	[smem:$0x3FAC] =	sst s2  }
0xb: {  	[smem:$0x3FAD] =	sst s3  }
0xc: {  	[smem:$0x3FAE] =	sst s4  }
0xd: {  	[smem:$0x3FAF] =	sst s5  }
0xe: {  	[smem:$0x3FB0] =	sst s6  }
0xf: {  	[smem:$0x3FB1] =	sst s7  }
0x10: {  	[smem:$0x3FB2] =	sst s8  }
0x11: {  	[smem:$0x3FB3] =	sst s9;
	s0 =	simm.s32 @!p0 $0x0  }
0x12: {  	s1 =	sld [smem:$0x3F99];
	s0 =	simm.s32 @p0 $0x1  }
0x13: {  	[smem:$0x3FB4] =	sst s0;
	s0 =	simm.s32 @!p1 $0x0  }
0x14: {  	s2 =	sld [smem:$0x3F98];
	s0 =	simm.s32 @p1 $0x1  }
0x15: {  	[smem:$0x3FB5] =	sst s0;
	s0 =	simm.s32 @!p2 $0x0  }
0x16: {  	s3 =	sld [smem:$0x3FDB];
	s0 =	simm.s32 @p2 $0x1  }
0x17: {  	s4 =	simm.s32 $0x1BF5;
	[smem:$0x3FB7] =	sst s0  }
0x18: {  	s0 =	sld [smem:$0x3F9A];
	_ =	swait.ge [sflag:s4], $0x0  }
0x19: {  	s7 =	sld [smem:$0x3F9B]  }
0x1a: {  	s8 =	sadd.s32 $0xFFFFE003, lr  }
0x1b: {  	s9 =	sadd.s32 $0xFFFFFEF7, lr;
	s5 =	simm.s32 $0xFFFFFFFF;
	p2 =	slt.u32 s8, $0xFFFFF086  }
0x1c: {  	p1 =	slt.u32 s9, $0xF7A;
	s5 =	simm.s32 @!p2 $0x0  }
0x1d: {  	s5 =	simm.s32 @p1 $0x1;
	p0 =	seq.s32 s7, s2  }
0x1e: {  	s7 =	smul.u32 @!p0 $0xF7A, s2;
	p2 =	seq.s32 @!p0 s5, $0x0  }
0x1f: {  	s9 =	smul.u32 $0xF7A, s1;
	s8 =	simm.s32 @!p0 $0x1BF5;
	p2 =	por !p2, p0  }
0x20: {  	[sflag:s8] =	ssyncset.s32 @!p0 $0xFFFFF086;
	s6 =	sadd.s32 @!p0 s3, s7;
	s7 =	simm.s32 @!p0 $0x108  }
0x21: {  	s3 =	sadd.s32 s3, s9;
	s6 =	sadd.s32 @!p0 $0x88, s6;
	s7 =	simm.s32 @p2 $0x1082  }
0x22: {  	[simem:s7], [sflag:s8] =	dma.local @!p0 [hbm:s6], $0xF7A  }
0x23: {  	s9 =	sor.u32 $0xD0000000, s2;
	s6 =	simm.s32 $0x108;
	_ =	swait.ge @!p0 [sflag:s8], $0x0  }
0x24: {  	s3 =	sadd.s32 $0x88, s3;
	s6 =	simm.s32 @!p1 $0x1082;
	[sflag:s4] =	ssyncset.s32 $0xFFFFF086  }
0x25: {  	[simem:s6], [sflag:s4] =	dma.local [hbm:s3], $0xF7A  }
0x26: {  	[smem:$0x3F9B] =	sst s1;
	(tag) =	ssettag s2;
	_ =	strace s9  }
0x27: {  	s1 =	sld [smem:$0x3FAB]  }
0x28: {  	s2 =	sld [smem:$0x3FAC]  }
0x29: {  	s4 =	sld [smem:$0x3FAE]  }
0x2a: {  	p0 =	seq.s32 s5, $0x0;
	s5 =	sld [smem:$0x3FAF]  }
0x2b: {  	s6 =	sld [smem:$0x3FB0]  }
0x2c: {  	s7 =	sld [smem:$0x3FB1]  }
0x2d: {  	s3 =	simm.s32 $0x108;
	s8 =	sld [smem:$0x3FB2]  }
0x2e: {  	s3 =	simm.s32 @!p0 $0x1082;
	s9 =	sld [smem:$0x3FB3]  }
0x2f: {  	lr =	sadd.s32 s0, s3;
	s0 =	sld [smem:$0x3FAA]  }
0x30: {  	s3 =	sld [smem:$0x3FAD]  }
0x31: {  	[smem:$0x3FB6] =	sst s10  }
0x32: {  	s10 =	sld [smem:$0x3FB4];
	_ =	sdelay $0x3  }
0x33: {  	p0 =	seq.s32 s10, $0x1;
	s10 =	sld [smem:$0x3FB6];
	_ =	sdelay $0x3  }
0x34: {  	[smem:$0x3FB6] =	sst s10  }
0x35: {  	s10 =	sld [smem:$0x3FB5];
	_ =	sdelay $0x3  }
0x36: {  	p1 =	seq.s32 s10, $0x1;
	s10 =	sld [smem:$0x3FB6];
	_ =	sdelay $0x3  }
0x37: {  	[smem:$0x3FB6] =	sst s10  }
0x38: {  	s10 =	sld [smem:$0x3FB7]  }
0x39: {  	_ = 	snop;
	(pc) =	sbr.ind lr, $3  }
0x3a: {  	_ = 	snop  }
0x3b: {  	_ = 	snop  }
0x3c: {  	p2 =	seq.s32 s10, $0x1;
	s10 =	sld [smem:$0x3FB6]  }
0x3d: {  	_ =	shalt  }
0x3e: {  	_ =	shalt  }
0x3f: {  	_ =	shalt  }
0x40: {  	_ =	shalt  }
0x41: {  	_ =	shalt  }
0x42: {  	_ =	shalt  }
0x43: {  	_ =	shalt  }
0x44: {  	_ =	shalt  }
0x45: {  	_ =	shalt  }
0x46: {  	_ =	shalt  }
0x47: {  	_ =	shalt  }
0x48: {  	_ =	shalt  }
0x49: {  	_ =	shalt  }
0x4a: {  	_ =	shalt  }
0x4b: {  	_ =	shalt  }
0x4c: {  	_ =	shalt  }
0x4d: {  	_ =	shalt  }
0x4e: {  	_ =	shalt  }
0x4f: {  	_ =	shalt  }
0x50: {  	_ =	shalt  }
0x51: {  	_ =	shalt  }
0x52: {  	_ =	shalt  }
0x53: {  	_ =	shalt  }
0x54: {  	_ =	shalt  }
0x55: {  	_ =	shalt  }
0x56: {  	_ =	shalt  }
0x57: {  	_ =	shalt  }
0x58: {  	_ =	shalt  }
0x59: {  	_ =	shalt  }
0x5a: {  	_ =	shalt  }
0x5b: {  	_ =	shalt  }
0x5c: {  	_ =	shalt  }
0x5d: {  	_ =	shalt  }
0x5e: {  	_ =	shalt  }
0x5f: {  	_ =	shalt  }
0x60: {  	_ =	shalt  }
0x61: {  	_ =	shalt  }
0x62: {  	_ =	shalt  }
0x63: {  	_ =	shalt  }
0x64: {  	_ =	shalt  }
0x65: {  	_ =	shalt  }
0x66: {  	_ =	shalt  }
0x67: {  	_ =	shalt  }
0x68: {  	_ =	shalt  }
0x69: {  	_ =	shalt  }
0x6a: {  	_ =	shalt  }
0x6b: {  	_ =	shalt  }
0x6c: {  	_ =	shalt  }
0x6d: {  	_ =	shalt  }
0x6e: {  	_ =	shalt  }
0x6f: {  	_ =	shalt  }
0x70: {  	_ =	shalt  }
0x71: {  	_ =	shalt  }
0x72: {  	_ =	shalt  }
0x73: {  	_ =	shalt  }
0x74: {  	_ =	shalt  }
0x75: {  	_ =	shalt  }
0x76: {  	_ =	shalt  }
0x77: {  	_ =	shalt  }
0x78: {  	_ =	shalt  }
0x79: {  	_ =	shalt  }
0x7a: {  	_ =	shalt  }
0x7b: {  	_ =	shalt  }
0x7c: {  	_ =	shalt  }
0x7d: {  	_ =	shalt  }
0x7e: {  	_ =	shalt  }
0x7f: {  	_ =	shalt  }
0x80: {  	_ =	shalt  }
0x81: {  	_ =	shalt  }
0x82: {  	_ =	shalt  }
0x83: {  	_ =	shalt  }
0x84: {  	_ =	shalt  }
0x85: {  	_ =	shalt  }
0x86: {  	_ =	shalt  }
0x87: {  	_ =	shalt  }
.Lfunc_end0:
.L_simem_size_0:
called_computation_lowered:
.L_overlay_start_0:
0x88: {  	s2 =	sld [smem:$0x3FD9]  }
0x89: {  	s3 =	sld [smem:$0x3FFE];
	_ =	sdelay $0x1  }
0x8a: {  	s1 =	srdreg.scid  }
0x8b: {  	s0 =	sand.u32 $0x1, s1  }
0x8c: {  	s17 =	sshll.u32 s0, $0xA;
	s2 =	sadd.s32 s3, s2  }
0x8d: {  	s2 =	sadd.s32 s2, s17  }
0x8e: {  	[smem:$0x3FC2] =	sst s2  }
0x8f: {  	_ = 	snop  }
0x90: {  	s2 =	sld [smem:$0x3FC9]  }
0x91: {  	s18 =	sld [smem:$0x3FD0];
	(tm) =	ssettm $0x1  }
0x92: {  	s4 =	sld [smem:$0x3FFB];
	_ =	sdelay $0x3  }
0x93: {  	_ =	strace s4  }
0x94: {  	s4 =	sld [smem:$0x3FFC];
	_ =	sdelay $0x3  }
0x95: {  	_ =	strace s4  }
0x96: {  	s4 =	sld [smem:$0x3FFD];
	_ =	sdelay $0x3  }
0x97: {  	_ =	strace s4  }
0x98: {  	_ =	strace $0x8FFFFFFF  }
0x99: {  	s19 =	sld [smem:$0x3FDB];
	_ =	sdelay $0x1  }
0x9a: {  	s5 =	simm.s32 $_scs_section_size  }
0x9b: {  	s6 =	simm.s32 $_size__tile_overlayer_lowered;
	s7 =	simm.s32 $_tile_overlayer_lowered  }
0x9c: {  	s22 =	simm.s32 $0x1BFF;
	s21 =	sshll.u32 s7, $0x1;
	s4 =	sadd.s32 s5, s19  }
0x9d: {  	s8 =	simm.s32 $0x0;
	s20 =	sshll.u32 s6, $0x1;
	s6 =	sadd.s32 s21, s4  }
0x9e: {  	[timem:s8], [sflag:s22] =	dma.local [hbm:s6], s20  }
0x9f: {  	_ =	swait.ge [sflag:s22], s20  }
0xa0: {  	s5 =	ssub.s32 $0x0, s20;
	[sflag:s22] =	ssyncset.done $0x0  }
0xa1: {  	[sflag:s22] =	ssyncadd.s32 s5;
	_ =	sdelay $0x1  }
0xa2: {  	s23 =	simm.s32 $0x1B8B  }
0xa3: {  	_ =	swait.ge [sflag:s23], $0x1  }
0xa4: {  	[sflag:s23] =	ssyncset.done $0x0  }
0xa5: {  	s25 =	simm.s32 $0x1B8E;
	s24 =	sld [smem:$0x3FFE];
	[sflag:s23] =	ssyncadd.s32 $0xFFFFFFFF  }
0xa6: {  	s26 =	simm.s32 $execute0_lowered;
	[smem:$0x3FD2] =	sst s25  }
0xa7: {  	s6 =	sshll.u32 s26, $0x1;
	_ =	strace $0x80000046;
	[dreg:$0x1] =	wrdreg $0xFFFFFFFF  }
0xa8: {  	s28 =	simm.s32 $_size_execute0_lowered;
	s4 =	sadd.s32 s4, s6;
	[dreg:$0x0] =	wrdreg $0x0  }
0xa9: {  	s6 =	sshll.u32 s28, $0x1;
	[dreg:$0x2] =	wrdreg s4  }
0xaa: {  	[dreg:$0x3] =	wrdreg s6  }
0xab: {  	[dreg:$0x4] =	wrdreg $0xC0  }
0xac: {  	_ =	task [dreg:s8], $0x5FFFF  }
0xad: {  	[dreg:$0x1] =	wrdreg $0xFFFFFFFF  }
0xae: {  	[dreg:$0x0] =	wrdreg $0x60  }
0xaf: {  	[dreg:$0x2] =	wrdreg s2  }
0xb0: {  	[dreg:$0x3] =	wrdreg s24  }
0xb1: {  	[dreg:$0x4] =	wrdreg s18  }
0xb2: {  	[dreg:$0x5] =	wrdreg $0x9  }
0xb3: {  	_ =	task.clear_ibuf [dreg:s8], $0x6FFFF;
	_ =	strace $0x90000046  }
0xb4: {  	s29 =	simm.s32 $0x9;
	_ =	strace $0x80000048  }
0xb5: {  	_ =	swait.ge [sflag:s29], $0x1  }
0xb6: {  	[sflag:s29] =	ssyncadd.s32 $0xFFFFFFFF  }
0xb7: {  	_ =	strace $0x90000048  }
0xb8: {  	_ =	sfence  }
0xb9: {  	s30 =	sld [smem:$0x0];
	_ =	sdelay $0x2  }
0xba: {  	s31 =	sshll.u32 s1, $0xD;
	s1 =	sshrl.u32 s1, $0x2  }
0xbb: {  	s3 =	sand.u32 $0x4000, s31;
	s1 =	sadd.s32 s1, s30  }
0xbc: {  	s0 =	sor.u32 s3, s0;
	s1 =	sshll.u32 s1, $0x11  }
0xbd: {  	s0 =	sor.u32 s1, s0  }
0xbe: {  	s0 =	sadd.s32 $0x8F2B, s0  }
0xbf: {  	[sflag:s0] =	ssyncadd.remote.s32 $0x1  }
0xc0: {  	_ =	sfence.sel $0xFFFF  }
0xc1: {  	[dreg:$0x0] =	wrdreg $0xFFFFFFFF;
	(pc) =	sbr.abs _section_cstart, $3  }
0xc2: {  	[dreg:$0x1] =	wrdreg $0xFFFFFFFF  }
0xc3: {  	_ =	task.clear_ibuf [dreg:s8], $0x2FFFF;
	_ =	strace $0x9FFFFFFF  }
0xc4: {  	(tm) =	ssettm $0x7FFFFFFF  }
0xc5: {  	_ =	shalt  }
tec
execute0_lowered:
.L_overlay_start_1:
0x0: {  	(tag) =	ssettag $0x1  }
0x1: {  	s0 =	srdreg.scid  }
0x2: {  	s1 =	rddreg [dreg:$0x0];
	s3 =	stileid.u32  }
0x3: {  	s2 =	rddreg [dreg:$0x1];
	s13 =	simm.s32 $0x1;
	s29 =	simm.s32 $0x1100  }
0x4: {  	s30 =	simm.s32 $0x1900;
	s31 =	simm.s32 $0x2100;
	s9 =	simm.s32 $0x4100  }
0x5: {  	s11 =	simm.s32 $0x4900;
	s12 =	simm.s32 $0x5100;
	s14 =	simm.s32 $0x5900  }
0x6: {  	s15 =	simm.s32 $0x6100;
	s16 =	simm.s32 $0x6900;
	s17 =	simm.s32 $0x7100  }
0x7: {  	s18 =	simm.s32 $0x7900;
	s19 =	simm.s32 $0x8100;
	s20 =	simm.s32 $0x8900  }
0x8: {  	s21 =	simm.s32 $0x9100;
	s10 =	simm.s32 $0xA100;
	s0 =	sand.u32 $0x1, s0  }
0x9: {  	s28 =	simm.s32 $0xB100;
	s3 =	sshll.u32 s3, $0x7;
	s4 =	sshll.u32 s0, $0x6  }
0xa: {  	s22 =	sadd.s32 $0x11E00, s2;
	s0 =	ssub.s32 $0x2, s0;
	s5 =	sor.u32 s4, s3  }
0xb: {  	s3 =	simm.s32 $0x0;
	s25 =	sshrl.u32 s0, $0x1;
	s6 =	sshll.u32 s5, $0x1  }
0xc: {  	[smem:$0x7FF] =	sst s3;
	s8 =	sshll.u32 s5, $0x4;
	s5 =	sshll.u32 s5, $0x7  }
0xd: {  	s0 =	ssub.s32 s0, s25;
	s7 =	sand.u32 $0xF00, s6;
	_ =	strace $0x80000047  }
0xe: {  	s23 =	sadd.s32 s8, s2;
	s1 =	sadd.s32 s1, s5;
	s5 =	sadd.s32 $0x12100, s2  }
0xf: {  	s8 =	smax.u32 s0, $0x1;
	s7 =	sor.u32 s4, s7;
	s4 =	sor.u32 s4, s6  }
0x10: {  	[dreg:$0x6] =	wrdreg s1;
	s24 =	sadd.s32 $0x1E00, s23;
	s26 =	sadd.s32 $0x9E00, s23  }
0x11: {  	s6 =	sadd.s32 $0x12200, s2;
	s23 =	simm.s32 $0x2;
	[dreg:$0x7] =	wrdreg s24  }
0x12: {  	s7 =	sshrl.u32 s7, $0x3;
	s4 =	sshrl.u32 s4, $0x3;
	[dreg:$0x8] =	wrdreg s26  }
0x13: {  	v2 =	vlaneseq.u32;
	s26 =	simm.s32 $0xA900;
	s7 =	sadd.s32 s22, s7;
	s4 =	sor.u32 $0x10, s4  }
0x14: {  	vm0 =	vmmov $0xffff;
	v1 =	vshrl.u32 v2, $0x3;
	[dreg:$0x4] =	wrdreg s7;
	s4 =	sadd.s32 s22, s4;
	s7 =	sadd.s32 $0x12300, s2  }
0x15: {  	v0 =	vand.u32 $0x7, v2;
	v2 =	vor.u32 $0x8, v2;
	v1 =	vmul.u32 $0x8, v1;
	s22 =	simm.s32 $0x9900;
	[dreg:$0x5] =	wrdreg s4;
	s4 =	sadd.s32 $0x12000, s2  }
.LBB2_1:
0x16: {  	s24 =	rddreg [dreg:$0x4]  }
0x17: {  	[tilespmem:s3], [sflag:$0x1] =	stream.linear.gather [hbm4b:s24+s3], $0x40, $0x38;
	[tilespmem:$0x14100] =	vst v63  }
0x18: {  	s25 =	rddreg [dreg:$0x5];
	s0 =	simm.s32 $0x80  }
0x19: {  	[tilespmem:s0], [sflag:$0x1] =	stream.linear.gather [hbm4b:s25+s3], $0x40, $0x38;
	[tilespmem:$0x14100] =	vst v63  }
0x1a: {  	s1 =	rddreg [dreg:$0x6];
	s0 =	simm.s32 $0x100  }
0x1b: {  	[tilespmem:s0], [sflag:$0x1] =	stream.linear.gather [hbm4b:s1+s3], $0x10000, $0x38;
	[tilespmem:$0x14100] =	vst v63  }
0x1c: {  	s25 =	rddreg [dreg:$0x7];
	s1 =	simm.s32 $0x10100  }
0x1d: {  	[tilespmem:s1], [sflag:$0x1] =	stream.linear.gather [hbm4b:s25+s3], $0x2000, $0x38;
	[tilespmem:$0x14100] =	vst v63  }
0x1e: {  	s2 =	rddreg [dreg:$0x8];
	s25 =	simm.s32 $0x12100  }
0x1f: {  	[tilespmem:s25], [sflag:$0x1] =	stream.linear.gather [hbm4b:s2+s3], $0x2000, $0x38;
	[tilespmem:$0x14100] =	vst v63  }
0x20: {  	_ =	swait.ge [sflag:s13], $0x40  }
0x21: {  	[sflag:s13] =	ssyncset.done $0x0  }
0x22: {  	[sflag:s13] =	ssyncadd.s32 $0xFFFFFFC0  }
0x23: {  	_ =	swait.ge [sflag:s13], $0x40  }
0x24: {  	[sflag:s13] =	ssyncset.done $0x0  }
0x25: {  	[sflag:s13] =	ssyncadd.s32 $0xFFFFFFC0  }
0x26: {  	_ =	swait.ge [sflag:s13], $0x10000  }
0x27: {  	[sflag:s13] =	ssyncset.done $0x0  }
0x28: {  	[sflag:s13] =	ssyncadd.s32 $0xFFFF0000  }
0x29: {  	_ =	swait.ge [sflag:s13], $0x2000  }
0x2a: {  	[sflag:s13] =	ssyncset.done $0x0  }
0x2b: {  	[sflag:s13] =	ssyncadd.s32 $0xFFFFE000  }
0x2c: {  	_ =	swait.ge [sflag:s13], $0x2000  }
0x2d: {  	[sflag:s13] =	ssyncset.done $0x0  }
0x2e: {  	[sflag:s13] =	ssyncadd.s32 $0xFFFFE000  }
0x2f: {  	v3 =	vld [tilespmem:$0x0];
	_ =	sdelay $0x4  }
0x30: {  	v4 =	vshll.u32 v3, $0x3  }
0x31: {  	v3 =	vand.u32 $0x7, v3;
	v4 =	vand.u32 $0xFFFFFFC0, v4  }
0x32: {  	v3 =	vor.u32 v3, v4  }
0x33: {  	v4 =	vperm.xlane v3, v0;
	_ =	sdelay $0x1  }
0x34: {  	v4 =	vadd.s32 v1, v4;
	_ =	sdelay $0x4  }
0x35: {  	[hbm4b:s4+s3] =	stream.indirect_vreg.scatter [tilespmem:s0], [sflag:$0x2], $0x80, v4, vm0, $0xb8;
	[tilespmem:$0x14100] =	vst v63  }
0x36: {  	s24 =	simm.s32 $0x900;
	v3 =	vperm.xlane v3, v2  }
0x37: {  	[hbm4b:s5+s3] =	stream.indirect_vreg.scatter [tilespmem:s24], [sflag:$0x2], $0x80, v4, vm0, $0xb8;
	[tilespmem:$0x14100] =	vst v63  }
0x38: {  	v3 =	vadd.s32 v1, v3  }
0x39: {  	[hbm4b:s6+s3] =	stream.indirect_vreg.scatter [tilespmem:s29], [sflag:$0x2], $0x80, v4, vm0, $0xb8;
	[tilespmem:$0x14100] =	vst v63  }
0x3a: {  	_ = 	snop  }
0x3b: {  	[hbm4b:s7+s3] =	stream.indirect_vreg.scatter [tilespmem:s30], [sflag:$0x2], $0x80, v4, vm0, $0xb8;
	[tilespmem:$0x14100] =	vst v63  }
0x3c: {  	_ = 	snop  }
0x3d: {  	[hbm4b:s4+s3] =	stream.indirect_vreg.scatter [tilespmem:s31], [sflag:$0x2], $0x80, v3, vm0, $0xb8;
	[tilespmem:$0x14100] =	vst v63  }
0x3e: {  	s2 =	simm.s32 $0x2900  }
0x3f: {  	[hbm4b:s5+s3] =	stream.indirect_vreg.scatter [tilespmem:s2], [sflag:$0x2], $0x80, v3, vm0, $0xb8;
	[tilespmem:$0x14100] =	vst v63  }
0x40: {  	s25 =	simm.s32 $0x3100  }
0x41: {  	[hbm4b:s6+s3] =	stream.indirect_vreg.scatter [tilespmem:s25], [sflag:$0x2], $0x80, v3, vm0, $0xb8;
	[tilespmem:$0x14100] =	vst v63  }
0x42: {  	s2 =	simm.s32 $0x3900  }
0x43: {  	[hbm4b:s7+s3] =	stream.indirect_vreg.scatter [tilespmem:s2], [sflag:$0x2], $0x80, v3, vm0, $0xb8;
	[tilespmem:$0x14100] =	vst v63  }
0x44: {  	v3 =	vld [tilespmem:$0x10];
	_ =	sdelay $0x4  }
0x45: {  	v57 =	vshll.u32 v3, $0x3  }
0x46: {  	v3 =	vand.u32 $0x7, v3;
	v4 =	vand.u32 $0xFFFFFFC0, v57  }
0x47: {  	v3 =	vor.u32 v3, v4  }
0x48: {  	v4 =	vperm.xlane v3, v0;
	_ =	sdelay $0x1  }
0x49: {  	v4 =	vadd.s32 v1, v4;
	_ =	sdelay $0x4  }
0x4a: {  	[hbm4b:s4+s3] =	stream.indirect_vreg.scatter [tilespmem:s9], [sflag:$0x2], $0x80, v4, vm0, $0xb8;
	[tilespmem:$0x14100] =	vst v63  }
0x4b: {  	v3 =	vperm.xlane v3, v2  }
0x4c: {  	[hbm4b:s5+s3] =	stream.indirect_vreg.scatter [tilespmem:s11], [sflag:$0x2], $0x80, v4, vm0, $0xb8;
	[tilespmem:$0x14100] =	vst v63  }
0x4d: {  	v3 =	vadd.s32 v1, v3  }
0x4e: {  	[hbm4b:s6+s3] =	stream.indirect_vreg.scatter [tilespmem:s12], [sflag:$0x2], $0x80, v4, vm0, $0xb8;
	[tilespmem:$0x14100] =	vst v63  }
0x4f: {  	_ = 	snop  }
0x50: {  	[hbm4b:s7+s3] =	stream.indirect_vreg.scatter [tilespmem:s14], [sflag:$0x2], $0x80, v4, vm0, $0xb8;
	[tilespmem:$0x14100] =	vst v63  }
0x51: {  	_ = 	snop  }
0x52: {  	[hbm4b:s4+s3] =	stream.indirect_vreg.scatter [tilespmem:s15], [sflag:$0x2], $0x80, v3, vm0, $0xb8;
	[tilespmem:$0x14100] =	vst v63  }
0x53: {  	_ = 	snop  }
0x54: {  	[hbm4b:s5+s3] =	stream.indirect_vreg.scatter [tilespmem:s16], [sflag:$0x2], $0x80, v3, vm0, $0xb8;
	[tilespmem:$0x14100] =	vst v63  }
0x55: {  	_ = 	snop  }
0x56: {  	[hbm4b:s6+s3] =	stream.indirect_vreg.scatter [tilespmem:s17], [sflag:$0x2], $0x80, v3, vm0, $0xb8;
	[tilespmem:$0x14100] =	vst v63  }
0x57: {  	_ = 	snop  }
0x58: {  	[hbm4b:s7+s3] =	stream.indirect_vreg.scatter [tilespmem:s18], [sflag:$0x2], $0x80, v3, vm0, $0xb8;
	[tilespmem:$0x14100] =	vst v63  }
0x59: {  	v3 =	vld [tilespmem:$0x20];
	_ =	sdelay $0x4  }
0x5a: {  	v58 =	vshll.u32 v3, $0x3  }
0x5b: {  	v3 =	vand.u32 $0x7, v3;
	v4 =	vand.u32 $0xFFFFFFC0, v58  }
0x5c: {  	v3 =	vor.u32 v3, v4  }
0x5d: {  	v4 =	vperm.xlane v3, v0;
	_ =	sdelay $0x1  }
0x5e: {  	v4 =	vadd.s32 v1, v4;
	_ =	sdelay $0x4  }
0x5f: {  	[hbm4b:s4+s3] =	stream.indirect_vreg.scatter [tilespmem:s19], [sflag:$0x2], $0x80, v4, vm0, $0xb8;
	[tilespmem:$0x14100] =	vst v63  }
0x60: {  	v3 =	vperm.xlane v3, v2  }
0x61: {  	[hbm4b:s5+s3] =	stream.indirect_vreg.scatter [tilespmem:s20], [sflag:$0x2], $0x80, v4, vm0, $0xb8;
	[tilespmem:$0x14100] =	vst v63  }
0x62: {  	v3 =	vadd.s32 v1, v3  }
0x63: {  	[hbm4b:s6+s3] =	stream.indirect_vreg.scatter [tilespmem:s21], [sflag:$0x2], $0x80, v4, vm0, $0xb8;
	[tilespmem:$0x14100] =	vst v63  }
0x64: {  	_ = 	snop  }
0x65: {  	[hbm4b:s7+s3] =	stream.indirect_vreg.scatter [tilespmem:s22], [sflag:$0x2], $0x80, v4, vm0, $0xb8;
	[tilespmem:$0x14100] =	vst v63  }
0x66: {  	_ = 	snop  }
0x67: {  	[hbm4b:s4+s3] =	stream.indirect_vreg.scatter [tilespmem:s10], [sflag:$0x2], $0x80, v3, vm0, $0xb8;
	[tilespmem:$0x14100] =	vst v63  }
0x68: {  	_ = 	snop  }
0x69: {  	[hbm4b:s5+s3] =	stream.indirect_vreg.scatter [tilespmem:s26], [sflag:$0x2], $0x80, v3, vm0, $0xb8;
	[tilespmem:$0x14100] =	vst v63  }
0x6a: {  	_ = 	snop  }
0x6b: {  	[hbm4b:s6+s3] =	stream.indirect_vreg.scatter [tilespmem:s28], [sflag:$0x2], $0x80, v3, vm0, $0xb8;
	[tilespmem:$0x14100] =	vst v63  }
0x6c: {  	s1 =	simm.s32 $0xB900  }
0x6d: {  	[hbm4b:s7+s3] =	stream.indirect_vreg.scatter [tilespmem:s1], [sflag:$0x2], $0x80, v3, vm0, $0xb8;
	[tilespmem:$0x14100] =	vst v63  }
0x6e: {  	v3 =	vld [tilespmem:$0x30];
	_ =	sdelay $0x4  }
0x6f: {  	v59 =	vshll.u32 v3, $0x3  }
0x70: {  	v3 =	vand.u32 $0x7, v3;
	v4 =	vand.u32 $0xFFFFFFC0, v59  }
0x71: {  	v3 =	vor.u32 v3, v4  }
0x72: {  	v4 =	vperm.xlane v3, v0;
	_ =	sdelay $0x1  }
0x73: {  	v4 =	vadd.s32 v1, v4;
	_ =	sdelay $0x3  }
0x74: {  	s1 =	simm.s32 $0xC100  }
0x75: {  	[hbm4b:s4+s3] =	stream.indirect_vreg.scatter [tilespmem:s1], [sflag:$0x2], $0x80, v4, vm0, $0xb8;
	[tilespmem:$0x14100] =	vst v63  }
0x76: {  	v3 =	vperm.xlane v3, v2;
	s1 =	simm.s32 $0xC900  }
0x77: {  	[hbm4b:s5+s3] =	stream.indirect_vreg.scatter [tilespmem:s1], [sflag:$0x2], $0x80, v4, vm0, $0xb8;
	[tilespmem:$0x14100] =	vst v63  }
0x78: {  	v3 =	vadd.s32 v1, v3;
	s1 =	simm.s32 $0xD100  }
0x79: {  	[hbm4b:s6+s3] =	stream.indirect_vreg.scatter [tilespmem:s1], [sflag:$0x2], $0x80, v4, vm0, $0xb8;
	[tilespmem:$0x14100] =	vst v63  }
0x7a: {  	s1 =	simm.s32 $0xD900  }
0x7b: {  	[hbm4b:s7+s3] =	stream.indirect_vreg.scatter [tilespmem:s1], [sflag:$0x2], $0x80, v4, vm0, $0xb8;
	[tilespmem:$0x14100] =	vst v63  }
0x7c: {  	s1 =	simm.s32 $0xE100  }
0x7d: {  	[hbm4b:s4+s3] =	stream.indirect_vreg.scatter [tilespmem:s1], [sflag:$0x2], $0x80, v3, vm0, $0xb8;
	[tilespmem:$0x14100] =	vst v63  }
0x7e: {  	s1 =	simm.s32 $0xE900  }
0x7f: {  	[hbm4b:s5+s3] =	stream.indirect_vreg.scatter [tilespmem:s1], [sflag:$0x2], $0x80, v3, vm0, $0xb8;
	[tilespmem:$0x14100] =	vst v63  }
0x80: {  	s1 =	simm.s32 $0xF100  }
0x81: {  	[hbm4b:s6+s3] =	stream.indirect_vreg.scatter [tilespmem:s1], [sflag:$0x2], $0x80, v3, vm0, $0xb8;
	[tilespmem:$0x14100] =	vst v63  }
0x82: {  	s1 =	simm.s32 $0xF900  }
0x83: {  	[hbm4b:s7+s3] =	stream.indirect_vreg.scatter [tilespmem:s1], [sflag:$0x2], $0x80, v3, vm0, $0xb8;
	[tilespmem:$0x14100] =	vst v63  }
0x84: {  	v3 =	vld [tilespmem:$0x80];
	_ =	sdelay $0x4  }
0x85: {  	v60 =	vshll.u32 v3, $0x3  }
0x86: {  	v3 =	vand.u32 $0x7, v3;
	v4 =	vand.u32 $0xFFFFFFC0, v60  }
0x87: {  	v3 =	vor.u32 v3, v4  }
0x88: {  	v4 =	vperm.xlane v3, v0;
	_ =	sdelay $0x1  }
0x89: {  	v4 =	vadd.s32 v1, v4;
	_ =	sdelay $0x4  }
0x8a: {  	[hbm4b:s4+s3] =	stream.indirect_vreg.scatter [tilespmem:s0], [sflag:$0x2], $0x80, v4, vm0, $0xb8;
	[tilespmem:$0x14100] =	vst v63  }
0x8b: {  	v3 =	vperm.xlane v3, v2  }
0x8c: {  	[hbm4b:s5+s3] =	stream.indirect_vreg.scatter [tilespmem:s24], [sflag:$0x2], $0x80, v4, vm0, $0xb8;
	[tilespmem:$0x14100] =	vst v63  }
0x8d: {  	v3 =	vadd.s32 v1, v3  }
0x8e: {  	[hbm4b:s6+s3] =	stream.indirect_vreg.scatter [tilespmem:s29], [sflag:$0x2], $0x80, v4, vm0, $0xb8;
	[tilespmem:$0x14100] =	vst v63  }
0x8f: {  	_ = 	snop  }
0x90: {  	[hbm4b:s7+s3] =	stream.indirect_vreg.scatter [tilespmem:s30], [sflag:$0x2], $0x80, v4, vm0, $0xb8;
	[tilespmem:$0x14100] =	vst v63  }
0x91: {  	_ = 	snop  }
0x92: {  	[hbm4b:s4+s3] =	stream.indirect_vreg.scatter [tilespmem:s31], [sflag:$0x2], $0x80, v3, vm0, $0xb8;
	[tilespmem:$0x14100] =	vst v63  }
0x93: {  	s24 =	simm.s32 $0x2900  }
0x94: {  	[hbm4b:s5+s3] =	stream.indirect_vreg.scatter [tilespmem:s24], [sflag:$0x2], $0x80, v3, vm0, $0xb8;
	[tilespmem:$0x14100] =	vst v63  }
0x95: {  	_ = 	snop  }
0x96: {  	[hbm4b:s6+s3] =	stream.indirect_vreg.scatter [tilespmem:s25], [sflag:$0x2], $0x80, v3, vm0, $0xb8;
	[tilespmem:$0x14100] =	vst v63  }
0x97: {  	_ = 	snop  }
0x98: {  	[hbm4b:s7+s3] =	stream.indirect_vreg.scatter [tilespmem:s2], [sflag:$0x2], $0x80, v3, vm0, $0xb8;
	[tilespmem:$0x14100] =	vst v63  }
0x99: {  	v3 =	vld [tilespmem:$0x90];
	_ =	sdelay $0x4  }
0x9a: {  	v61 =	vshll.u32 v3, $0x3  }
0x9b: {  	v3 =	vand.u32 $0x7, v3;
	v4 =	vand.u32 $0xFFFFFFC0, v61  }
0x9c: {  	v3 =	vor.u32 v3, v4  }
0x9d: {  	v4 =	vperm.xlane v3, v0;
	_ =	sdelay $0x1  }
0x9e: {  	v4 =	vadd.s32 v1, v4;
	_ =	sdelay $0x4  }
0x9f: {  	[hbm4b:s4+s3] =	stream.indirect_vreg.scatter [tilespmem:s9], [sflag:$0x2], $0x80, v4, vm0, $0xb8;
	[tilespmem:$0x14100] =	vst v63  }
0xa0: {  	v3 =	vperm.xlane v3, v2  }
0xa1: {  	[hbm4b:s5+s3] =	stream.indirect_vreg.scatter [tilespmem:s11], [sflag:$0x2], $0x80, v4, vm0, $0xb8;
	[tilespmem:$0x14100] =	vst v63  }
0xa2: {  	v3 =	vadd.s32 v1, v3  }
0xa3: {  	[hbm4b:s6+s3] =	stream.indirect_vreg.scatter [tilespmem:s12], [sflag:$0x2], $0x80, v4, vm0, $0xb8;
	[tilespmem:$0x14100] =	vst v63  }
0xa4: {  	_ = 	snop  }
0xa5: {  	[hbm4b:s7+s3] =	stream.indirect_vreg.scatter [tilespmem:s14], [sflag:$0x2], $0x80, v4, vm0, $0xb8;
	[tilespmem:$0x14100] =	vst v63  }
0xa6: {  	_ = 	snop  }
0xa7: {  	[hbm4b:s4+s3] =	stream.indirect_vreg.scatter [tilespmem:s15], [sflag:$0x2], $0x80, v3, vm0, $0xb8;
	[tilespmem:$0x14100] =	vst v63  }
0xa8: {  	_ = 	snop  }
0xa9: {  	[hbm4b:s5+s3] =	stream.indirect_vreg.scatter [tilespmem:s16], [sflag:$0x2], $0x80, v3, vm0, $0xb8;
	[tilespmem:$0x14100] =	vst v63  }
0xaa: {  	_ = 	snop  }
0xab: {  	[hbm4b:s6+s3] =	stream.indirect_vreg.scatter [tilespmem:s17], [sflag:$0x2], $0x80, v3, vm0, $0xb8;
	[tilespmem:$0x14100] =	vst v63  }
0xac: {  	_ = 	snop  }
0xad: {  	[hbm4b:s7+s3] =	stream.indirect_vreg.scatter [tilespmem:s18], [sflag:$0x2], $0x80, v3, vm0, $0xb8;
	[tilespmem:$0x14100] =	vst v63  }
0xae: {  	v3 =	vld [tilespmem:$0xA0];
	_ =	sdelay $0x4  }
0xaf: {  	v62 =	vshll.u32 v3, $0x3  }
0xb0: {  	v3 =	vand.u32 $0x7, v3;
	v4 =	vand.u32 $0xFFFFFFC0, v62  }
0xb1: {  	v3 =	vor.u32 v3, v4  }
0xb2: {  	v4 =	vperm.xlane v3, v0;
	_ =	sdelay $0x1  }
0xb3: {  	v4 =	vadd.s32 v1, v4;
	_ =	sdelay $0x4  }
0xb4: {  	[hbm4b:s4+s3] =	stream.indirect_vreg.scatter [tilespmem:s19], [sflag:$0x2], $0x80, v4, vm0, $0xb8;
	[tilespmem:$0x14100] =	vst v63  }
0xb5: {  	v3 =	vperm.xlane v3, v2  }
0xb6: {  	[hbm4b:s5+s3] =	stream.indirect_vreg.scatter [tilespmem:s20], [sflag:$0x2], $0x80, v4, vm0, $0xb8;
	[tilespmem:$0x14100] =	vst v63  }
0xb7: {  	v3 =	vadd.s32 v1, v3  }
0xb8: {  	[hbm4b:s6+s3] =	stream.indirect_vreg.scatter [tilespmem:s21], [sflag:$0x2], $0x80, v4, vm0, $0xb8;
	[tilespmem:$0x14100] =	vst v63  }
0xb9: {  	_ = 	snop  }
0xba: {  	[hbm4b:s7+s3] =	stream.indirect_vreg.scatter [tilespmem:s22], [sflag:$0x2], $0x80, v4, vm0, $0xb8;
	[tilespmem:$0x14100] =	vst v63  }
0xbb: {  	_ = 	snop  }
0xbc: {  	[hbm4b:s4+s3] =	stream.indirect_vreg.scatter [tilespmem:s10], [sflag:$0x2], $0x80, v3, vm0, $0xb8;
	[tilespmem:$0x14100] =	vst v63  }
0xbd: {  	_ = 	snop  }
0xbe: {  	[hbm4b:s5+s3] =	stream.indirect_vreg.scatter [tilespmem:s26], [sflag:$0x2], $0x80, v3, vm0, $0xb8;
	[tilespmem:$0x14100] =	vst v63  }
0xbf: {  	_ = 	snop  }
0xc0: {  	[hbm4b:s6+s3] =	stream.indirect_vreg.scatter [tilespmem:s28], [sflag:$0x2], $0x80, v3, vm0, $0xb8;
	[tilespmem:$0x14100] =	vst v63  }
0xc1: {  	s2 =	simm.s32 $0xB900  }
0xc2: {  	[hbm4b:s7+s3] =	stream.indirect_vreg.scatter [tilespmem:s2], [sflag:$0x2], $0x80, v3, vm0, $0xb8;
	[tilespmem:$0x14100] =	vst v63  }
0xc3: {  	v3 =	vld [tilespmem:$0xB0];
	_ =	sdelay $0x4  }
0xc4: {  	v63 =	vshll.u32 v3, $0x3  }
0xc5: {  	v3 =	vand.u32 $0x7, v3;
	v4 =	vand.u32 $0xFFFFFFC0, v63  }
0xc6: {  	v3 =	vor.u32 v3, v4  }
0xc7: {  	v4 =	vperm.xlane v3, v0;
	_ =	sdelay $0x1  }
0xc8: {  	v4 =	vadd.s32 v1, v4;
	_ =	sdelay $0x3  }
0xc9: {  	s24 =	simm.s32 $0xC100  }
0xca: {  	[hbm4b:s4+s3] =	stream.indirect_vreg.scatter [tilespmem:s24], [sflag:$0x2], $0x80, v4, vm0, $0xb8;
	[tilespmem:$0x14100] =	vst v63  }
0xcb: {  	s25 =	simm.s32 $0xC900;
	v3 =	vperm.xlane v3, v2  }
0xcc: {  	[hbm4b:s5+s3] =	stream.indirect_vreg.scatter [tilespmem:s25], [sflag:$0x2], $0x80, v4, vm0, $0xb8;
	[tilespmem:$0x14100] =	vst v63  }
0xcd: {  	s2 =	simm.s32 $0xD100;
	v3 =	vadd.s32 v1, v3  }
0xce: {  	[hbm4b:s6+s3] =	stream.indirect_vreg.scatter [tilespmem:s2], [sflag:$0x2], $0x80, v4, vm0, $0xb8;
	[tilespmem:$0x14100] =	vst v63  }
0xcf: {  	s24 =	simm.s32 $0xD900  }
0xd0: {  	[hbm4b:s7+s3] =	stream.indirect_vreg.scatter [tilespmem:s24], [sflag:$0x2], $0x80, v4, vm0, $0xb8;
	[tilespmem:$0x14100] =	vst v63  }
0xd1: {  	s25 =	simm.s32 $0xE100  }
0xd2: {  	[hbm4b:s4+s3] =	stream.indirect_vreg.scatter [tilespmem:s25], [sflag:$0x2], $0x80, v3, vm0, $0xb8;
	[tilespmem:$0x14100] =	vst v63  }
0xd3: {  	s2 =	simm.s32 $0xE900  }
0xd4: {  	[hbm4b:s5+s3] =	stream.indirect_vreg.scatter [tilespmem:s2], [sflag:$0x2], $0x80, v3, vm0, $0xb8;
	[tilespmem:$0x14100] =	vst v63  }
0xd5: {  	s24 =	simm.s32 $0xF100  }
0xd6: {  	[hbm4b:s6+s3] =	stream.indirect_vreg.scatter [tilespmem:s24], [sflag:$0x2], $0x80, v3, vm0, $0xb8;
	[tilespmem:$0x14100] =	vst v63  }
0xd7: {  	s1 =	simm.s32 $0xF900  }
0xd8: {  	[hbm4b:s7+s3] =	stream.indirect_vreg.scatter [tilespmem:s1], [sflag:$0x2], $0x80, v3, vm0, $0xb8;
	[tilespmem:$0x14100] =	vst v63  }
0xd9: {  	s0 =	simm.s32 $0x40;
	s25 =	simm.s32 $0x10100;
	s24 =	rddreg [dreg:$0x2]  }
0xda: {  	[hbm4b:s24+s0] =	stream.indirect.scatter [tilespmem:s25], [sflag:$0x2], $0x80, s3, s0, $0xb8;
	[tilespmem:$0x14100] =	vst v63  }
0xdb: {  	s2 =	simm.s32 $0x80;
	s25 =	simm.s32 $0x12100  }
0xdc: {  	[hbm4b:s24+s0] =	stream.indirect.scatter [tilespmem:s25], [sflag:$0x2], $0x80, s2, s0, $0xb8;
	[tilespmem:$0x14100] =	vst v63  }
0xdd: {  	_ =	swait.ge [sflag:s23], $0x10000  }
0xde: {  	[sflag:s23] =	ssyncset.done $0x0  }
0xdf: {  	[sflag:s23] =	ssyncadd.s32 $0xFFFF0000  }
0xe0: {  	_ =	swait.ge [sflag:s23], $0x10000  }
0xe1: {  	[sflag:s23] =	ssyncset.done $0x0  }
0xe2: {  	[sflag:s23] =	ssyncadd.s32 $0xFFFF0000  }
0xe3: {  	p0 =	sne.s32 s8, $0x1;
	_ =	swait.ge [sflag:s23], $0x2000  }
.Ltmp0:
0xe4: {  	[sflag:s23] =	ssyncset.done $0x0;
	(pc) =	sbr.rel @p0 .LBB2_1-.Ltmp0, $4  }
0xe5: {  	[sflag:s23] =	ssyncadd.s32 $0xFFFFE000  }
0xe6: {  	_ =	swait.ge [sflag:s23], $0x2000  }
0xe7: {  	[sflag:s23] =	ssyncset.done $0x0  }
0xe8: {  	s8 =	sadd.s32 $0xFFFFFFFF, s8;
	[sflag:s23] =	ssyncadd.s32 $0xFFFFE000  }
0xe9: {  	_ =	sfence.sel $0x180000  }
0xea: {  	[bflag:$0x0] =	sbarrier.arrive $0xFFFF  }
0xeb: {  	_ =	strace $0x90000047  }
0xec: {  	s0 =	stileid.u32;
	[bflag:$0x2] =	sbarrier.arrive $0xFFFF  }
0xed: {  	p0 =	sne.s32 s0, $0x0;
	s0 =	rddreg [dreg:$0x3]  }
0xee: {  	s0 =	sadd.s32 @!p0 $0x100000, s0  }
0xef: {  	[sflag:s0] =	ssyncadd.tile.s32 @!p0 $0x1;
	_ =	shalt  }
.Lfunc_end2:
_tile_overlayer_lowered:
.L_overlay_start_2:
0xf0: {  	(tag) =	ssettag $0x2  }
0xf1: {  	s0 =	rddreg [dreg:$0x0];
	s2 =	stileid.u32  }
0xf2: {  	s1 =	rddreg [dreg:$0x1];
	p0 =	sne.s32 s2, $0x0  }
0xf3: {  	s3 =	rddreg [dreg:$0x2];
	[bflag:$0x3] =	sbarrier.arrive $0xFFFF;
	s2 =	simm.s32 @!p0 $0x1C03  }
0xf4: {  	[timem:s3], [sflag:s2] =	dma.local @!p0 [hbm:s0], s1  }
0xf5: {  	s0 =	simm.s32 @!p0 $0x3  }
0xf6: {  	_ =	swait.ge @!p0 [sflag:s0], s1  }
0xf7: {  	s1 =	ssub.s32 @!p0 $0x0, s1;
	[sflag:s0] =	ssyncset.done @!p0 $0x0  }
0xf8: {  	[sflag:s0] =	ssyncadd.s32 @!p0 s1  }
0xf9: {  	[bflag:$0x3] =	sbarrier.arrive $0xFFFF  }
0xfa: {  	_ =	shalt  }

</sc_bundles>
